<compile_context>
chip_gen: v7x
topology: tpu7x:2x2x1
jax: 0.10.2.dev20260603
libtpu: 0.0.44.dev20260713+nightly
codegen_flags: <defaults>
</compile_context>

<pallas_src>
import functools
import math

import jax
import jax.numpy as jnp
from jax import lax
from jax.experimental import pallas as pl
from jax.experimental.pallas import tpu as pltpu
from jax.experimental.pallas import tpu_sc as plsc

D_MODEL = 1024
SCALE = math.sqrt(D_MODEL)
LANES = 16
NUM_CORES = 2
NUM_SUBCORES = 16
NW = NUM_CORES * NUM_SUBCORES

B_TOTAL = 4 * 4096
BPW = B_TOTAL // NW
CHUNK = 64
NCHUNK = BPW // CHUNK

_mesh = plsc.VectorSubcoreMesh(core_axis_name="c", subcore_axis_name="s")


@functools.partial(
    pl.kernel,
    mesh=_mesh,
    out_type=jax.ShapeDtypeStruct((B_TOTAL, D_MODEL), jnp.float32),
    scratch_types=[
        pltpu.VMEM((BPW,), jnp.int32),
        pltpu.VMEM((CHUNK, D_MODEL), jnp.float32),
        pltpu.SemaphoreType.DMA,
    ],
)
def _emb_lookup(table_hbm, idx_hbm, out_hbm, idx_v, rows_v, sem):
    wid = lax.axis_index("s") * NUM_CORES + lax.axis_index("c")
    base = wid * BPW
    pltpu.sync_copy(idx_hbm.at[pl.ds(base, BPW)], idx_v)

    def step(g, carry):
        pltpu.async_copy(
            table_hbm.at[idx_v.at[pl.ds(g * CHUNK, CHUNK)]], rows_v, sem
        ).wait()

        def scale_row(r, c):
            for j in range(D_MODEL // LANES):
                sl = pl.ds(j * LANES, LANES)
                rows_v[r, sl] = rows_v[r, sl] * SCALE
            return c

        lax.fori_loop(0, CHUNK, scale_row, 0, unroll=False)
        pltpu.sync_copy(rows_v, out_hbm.at[pl.ds(base + g * CHUNK, CHUNK)])
        return carry

    lax.fori_loop(0, NCHUNK, step, 0, unroll=False)


def kernel(x, embedding_table):
    idx = x.reshape(-1).astype(jnp.int32)
    out = _emb_lookup(embedding_table, idx)
    return out.reshape(x.shape + (D_MODEL,))

# --- scband reference (transcript-rebuilt; emitter-appended) ---
"""Pipeline reference for scband-word-embeddings-12378095747403 (READ-ONLY COPY).

The authoritative reference and input builder live on the scoring server;
editing this copy changes nothing except your own understanding.
"""

import jax, jax.numpy as jnp
import numpy as np
import math

D_MODEL = 1024
VOCAB_SIZE = 100000

def setup_inputs(seed: int = 0) -> dict:
    key = jax.random.key(seed)
    k1, k2 = jax.random.split(key)
    x = jax.random.randint(k1, (4, 4096), 0, VOCAB_SIZE, dtype=jnp.int64 if jax.config.jax_enable_x64 else jnp.int32)
    # nn.Embedding default init: N(0, 1)
    embedding_table = jax.random.normal(k2, (VOCAB_SIZE, D_MODEL), dtype=jnp.float32)
    return {"x": x, "embedding_table": embedding_table}

def reference(x, embedding_table):
    # WordEmbeddings.forward: embedding lookup scaled by sqrt(d_model)
    emb = jnp.take(embedding_table, x, axis=0)
    return emb * math.sqrt(D_MODEL)

if __name__ == "__main__":
    import jax
    _d = setup_inputs()
    print(jax.jit(kernel)(*tuple(_d.values())))

</pallas_src>

<mosaic_0001>
#map = affine_map<(d0, d1) -> (0, 0)>
#map1 = affine_map<(d0, d1) -> (0)>
module attributes {stable_mosaic.version = 14 : i64} {
  func.func @_emb_lookup(%arg0: i32, %arg1: i32, %arg2: memref<100000x1024xf32, #tpu.memory_space<hbm>>, %arg3: memref<16384xi32, #tpu.memory_space<hbm>>, %arg4: memref<16384x1024xf32, #tpu.memory_space<hbm>>, %arg5: memref<512xi32, #tpu.memory_space<vmem>>, %arg6: memref<64x1024xf32, #tpu.memory_space<vmem>>, %arg7: memref<!tpu.dma_semaphore, #tpu.memory_space<semaphore_mem>>) attributes {dimension_semantics = [#tpu.dimension_semantics<core_parallel>, #tpu.dimension_semantics<subcore_parallel>], iteration_bounds = array<i64: 2, 16>, scalar_prefetch = 0 : i64, scratch_operands = 3 : i64, tpu.core_type = #tpu.core_type<sc_vector_subcore>, window_params = [{transform_indices = #map}, {transform_indices = #map1}, {transform_indices = #map}]} {
    %mul3A = arith.constant 2 : i32
    %mul3A_0 = arith.muli %arg1, %mul3A : i32
    %add3A = arith.addi %mul3A_0, %arg0 : i32
    %mul3A_1 = arith.constant 512 : i32
    %mul3A_2 = arith.muli %add3A, %mul3A_1 : i32
    "tpu.region"() ({
      %run_scoped3A = tpu.sem_alloc : memref<!tpu.dma_semaphore, #tpu.memory_space<semaphore_mem>>
      %dma_start3A = tpu.memref_slice %arg3[%mul3A_2] : memref<16384xi32, #tpu.memory_space<hbm>> -> memref<512xi32, #tpu.memory_space<hbm>>
      %dma_start3A_8 = tpu.memref_slice %arg3[%mul3A_2] : memref<16384xi32, #tpu.memory_space<hbm>> -> memref<512xi32, #tpu.memory_space<hbm>>
      tpu.enqueue_dma source(%dma_start3A_8 : memref<512xi32, #tpu.memory_space<hbm>>) target(%arg5 : memref<512xi32, #tpu.memory_space<vmem>>) target_semaphore(%run_scoped3A : memref<!tpu.dma_semaphore, #tpu.memory_space<semaphore_mem>>)
      %dma_wait3A = tpu.memref_slice %arg3[%mul3A_2] : memref<16384xi32, #tpu.memory_space<hbm>> -> memref<512xi32, #tpu.memory_space<hbm>>
      %dma_wait3A_9 = tpu.memref_slice %arg3[%mul3A_2] : memref<16384xi32, #tpu.memory_space<hbm>> -> memref<512xi32, #tpu.memory_space<hbm>>
      tpu.wait_dma2 semaphore(%run_scoped3A : memref<!tpu.dma_semaphore, #tpu.memory_space<semaphore_mem>>) src(%dma_wait3A_9 : memref<512xi32, #tpu.memory_space<hbm>>) dst(%arg5 : memref<512xi32, #tpu.memory_space<vmem>>)
      tpu.yield
    }) : () -> ()
    %scan3A = arith.constant 0 : i32
    %scan3A_3 = arith.constant 0 : i32
    %scan3A_4 = arith.constant 8 : i32
    %scan3A_5 = arith.addi %scan3A_3, %scan3A_4 : i32
    %scan3A_6 = arith.constant 1 : i32
    scf.for %scan3A_8 = %scan3A_3 to %scan3A_5 step %scan3A_6  : i32 {
      %mul3A_9 = arith.constant 64 : i32
      %mul3A_10 = arith.muli %scan3A_8, %mul3A_9 : i32
      %dma_start3A = tpu.memref_slice %arg5[%mul3A_10] : memref<512xi32, #tpu.memory_space<vmem>> -> memref<64xi32, #tpu.memory_space<vmem>>
      %dma_start3A_11 = arith.constant 0 : i32
      %dma_start3A_12 = arith.constant 0 : i32
      %dma_start3A_13 = tpu.memref_slice %arg2[%dma_start3A_11, %dma_start3A_12] : memref<100000x1024xf32, #tpu.memory_space<hbm>> -> memref<100000x1024xf32, #tpu.memory_space<hbm>>
      tpu.enqueue_indirect_dma source(%dma_start3A_13 : memref<100000x1024xf32, #tpu.memory_space<hbm>>) target(%arg6 : memref<64x1024xf32, #tpu.memory_space<vmem>>) offsets(%dma_start3A : memref<64xi32, #tpu.memory_space<vmem>>) semaphore(%arg7 : memref<!tpu.dma_semaphore, #tpu.memory_space<semaphore_mem>>)
      %dma_wait3A = tpu.memref_slice %arg5[%mul3A_10] : memref<512xi32, #tpu.memory_space<vmem>> -> memref<64xi32, #tpu.memory_space<vmem>>
      %dma_wait3A_14 = arith.constant 0 : i32
      %dma_wait3A_15 = arith.constant 0 : i32
      %dma_wait3A_16 = tpu.memref_slice %arg2[%dma_wait3A_14, %dma_wait3A_15] : memref<100000x1024xf32, #tpu.memory_space<hbm>> -> memref<100000x1024xf32, #tpu.memory_space<hbm>>
      tpu.wait_indirect_dma semaphore(%arg7 : memref<!tpu.dma_semaphore, #tpu.memory_space<semaphore_mem>>) src(%dma_wait3A_16 : memref<100000x1024xf32, #tpu.memory_space<hbm>>) dst(%arg6 : memref<64x1024xf32, #tpu.memory_space<vmem>>)
      %scan3A_17 = arith.constant 0 : i32
      %scan3A_18 = arith.constant 0 : i32
      %scan3A_19 = arith.constant 64 : i32
      %scan3A_20 = arith.addi %scan3A_18, %scan3A_19 : i32
      %scan3A_21 = arith.constant 1 : i32
      scf.for %scan3A_26 = %scan3A_18 to %scan3A_20 step %scan3A_21  : i32 {
        %get3A = arith.index_cast %scan3A_26 : i32 to index
        %get3A_27 = arith.constant 0 : index
        %get3A_28 = tpu.vector_load %arg6[%get3A, %get3A_27] {strides = array<i32>} : memref<64x1024xf32, #tpu.memory_space<vmem>>, vector<1x16xf32>,
        %get3A_29 = vector.shape_cast %get3A_28 : vector<1x16xf32> to vector<16xf32>
        %mul3A_30 = arith.constant 3.200000e+01 : f32
        %mul3A_31 = vector.broadcast %mul3A_30 : f32 to vector<16xf32>
        %mul3A_32 = arith.mulf %get3A_29, %mul3A_31 : vector<16xf32>
        %swap3A = arith.index_cast %scan3A_26 : i32 to index
        %swap3A_33 = arith.constant 0 : index
        %swap3A_34 = tpu.vector_load %arg6[%swap3A, %swap3A_33] {strides = array<i32>} : memref<64x1024xf32, #tpu.memory_space<vmem>>, vector<1x16xf32>,
        %swap3A_35 = vector.shape_cast %swap3A_34 : vector<1x16xf32> to vector<16xf32>
        %swap3A_36 = vector.shape_cast %mul3A_32 : vector<16xf32> to vector<1x16xf32>
        tpu.vector_store %arg6[%swap3A, %swap3A_33], %swap3A_36 {strides = array<i32>} : memref<64x1024xf32, #tpu.memory_space<vmem>>, vector<1x16xf32>,
        %get3A_37 = arith.index_cast %scan3A_26 : i32 to index
        %get3A_38 = arith.constant 16 : index
        %get3A_39 = tpu.vector_load %arg6[%get3A_37, %get3A_38] {strides = array<i32>} : memref<64x1024xf32, #tpu.memory_space<vmem>>, vector<1x16xf32>,
        %get3A_40 = vector.shape_cast %get3A_39 : vector<1x16xf32> to vector<16xf32>
        %mul3A_41 = arith.constant 3.200000e+01 : f32
        %mul3A_42 = vector.broadcast %mul3A_41 : f32 to vector<16xf32>
        %mul3A_43 = arith.mulf %get3A_40, %mul3A_42 : vector<16xf32>
        %swap3A_44 = arith.index_cast %scan3A_26 : i32 to index
        %swap3A_45 = arith.constant 16 : index
        %swap3A_46 = tpu.vector_load %arg6[%swap3A_44, %swap3A_45] {strides = array<i32>} : memref<64x1024xf32, #tpu.memory_space<vmem>>, vector<1x16xf32>,
        %swap3A_47 = vector.shape_cast %swap3A_46 : vector<1x16xf32> to vector<16xf32>
        %swap3A_48 = vector.shape_cast %mul3A_43 : vector<16xf32> to vector<1x16xf32>
        tpu.vector_store %arg6[%swap3A_44, %swap3A_45], %swap3A_48 {strides = array<i32>} : memref<64x1024xf32, #tpu.memory_space<vmem>>, vector<1x16xf32>,
        %get3A_49 = arith.index_cast %scan3A_26 : i32 to index
        %get3A_50 = arith.constant 32 : index
        %get3A_51 = tpu.vector_load %arg6[%get3A_49, %get3A_50] {strides = array<i32>} : memref<64x1024xf32, #tpu.memory_space<vmem>>, vector<1x16xf32>,
        %get3A_52 = vector.shape_cast %get3A_51 : vector<1x16xf32> to vector<16xf32>
        %mul3A_53 = arith.constant 3.200000e+01 : f32
        %mul3A_54 = vector.broadcast %mul3A_53 : f32 to vector<16xf32>
        %mul3A_55 = arith.mulf %get3A_52, %mul3A_54 : vector<16xf32>
        %swap3A_56 = arith.index_cast %scan3A_26 : i32 to index
        %swap3A_57 = arith.constant 32 : index
        %swap3A_58 = tpu.vector_load %arg6[%swap3A_56, %swap3A_57] {strides = array<i32>} : memref<64x1024xf32, #tpu.memory_space<vmem>>, vector<1x16xf32>,
        %swap3A_59 = vector.shape_cast %swap3A_58 : vector<1x16xf32> to vector<16xf32>
        %swap3A_60 = vector.shape_cast %mul3A_55 : vector<16xf32> to vector<1x16xf32>
        tpu.vector_store %arg6[%swap3A_56, %swap3A_57], %swap3A_60 {strides = array<i32>} : memref<64x1024xf32, #tpu.memory_space<vmem>>, vector<1x16xf32>,
        %get3A_61 = arith.index_cast %scan3A_26 : i32 to index
        %get3A_62 = arith.constant 48 : index
        %get3A_63 = tpu.vector_load %arg6[%get3A_61, %get3A_62] {strides = array<i32>} : memref<64x1024xf32, #tpu.memory_space<vmem>>, vector<1x16xf32>,
        %get3A_64 = vector.shape_cast %get3A_63 : vector<1x16xf32> to vector<16xf32>
        %mul3A_65 = arith.constant 3.200000e+01 : f32
        %mul3A_66 = vector.broadcast %mul3A_65 : f32 to vector<16xf32>
        %mul3A_67 = arith.mulf %get3A_64, %mul3A_66 : vector<16xf32>
        %swap3A_68 = arith.index_cast %scan3A_26 : i32 to index
        %swap3A_69 = arith.constant 48 : index
        %swap3A_70 = tpu.vector_load %arg6[%swap3A_68, %swap3A_69] {strides = array<i32>} : memref<64x1024xf32, #tpu.memory_space<vmem>>, vector<1x16xf32>,
        %swap3A_71 = vector.shape_cast %swap3A_70 : vector<1x16xf32> to vector<16xf32>
        %swap3A_72 = vector.shape_cast %mul3A_67 : vector<16xf32> to vector<1x16xf32>
        tpu.vector_store %arg6[%swap3A_68, %swap3A_69], %swap3A_72 {strides = array<i32>} : memref<64x1024xf32, #tpu.memory_space<vmem>>, vector<1x16xf32>,
        %get3A_73 = arith.index_cast %scan3A_26 : i32 to index
        %get3A_74 = arith.constant 64 : index
        %get3A_75 = tpu.vector_load %arg6[%get3A_73, %get3A_74] {strides = array<i32>} : memref<64x1024xf32, #tpu.memory_space<vmem>>, vector<1x16xf32>,
        %get3A_76 = vector.shape_cast %get3A_75 : vector<1x16xf32> to vector<16xf32>
        %mul3A_77 = arith.constant 3.200000e+01 : f32
        %mul3A_78 = vector.broadcast %mul3A_77 : f32 to vector<16xf32>
        %mul3A_79 = arith.mulf %get3A_76, %mul3A_78 : vector<16xf32>
        %swap3A_80 = arith.index_cast %scan3A_26 : i32 to index
        %swap3A_81 = arith.constant 64 : index
        %swap3A_82 = tpu.vector_load %arg6[%swap3A_80, %swap3A_81] {strides = array<i32>} : memref<64x1024xf32, #tpu.memory_space<vmem>>, vector<1x16xf32>,
        %swap3A_83 = vector.shape_cast %swap3A_82 : vector<1x16xf32> to vector<16xf32>
        %swap3A_84 = vector.shape_cast %mul3A_79 : vector<16xf32> to vector<1x16xf32>
        tpu.vector_store %arg6[%swap3A_80, %swap3A_81], %swap3A_84 {strides = array<i32>} : memref<64x1024xf32, #tpu.memory_space<vmem>>, vector<1x16xf32>,
        %get3A_85 = arith.index_cast %scan3A_26 : i32 to index
        %get3A_86 = arith.constant 80 : index
        %get3A_87 = tpu.vector_load %arg6[%get3A_85, %get3A_86] {strides = array<i32>} : memref<64x1024xf32, #tpu.memory_space<vmem>>, vector<1x16xf32>,
        %get3A_88 = vector.shape_cast %get3A_87 : vector<1x16xf32> to vector<16xf32>
        %mul3A_89 = arith.constant 3.200000e+01 : f32
        %mul3A_90 = vector.broadcast %mul3A_89 : f32 to vector<16xf32>
        %mul3A_91 = arith.mulf %get3A_88, %mul3A_90 : vector<16xf32>
        %swap3A_92 = arith.index_cast %scan3A_26 : i32 to index
        %swap3A_93 = arith.constant 80 : index
        %swap3A_94 = tpu.vector_load %arg6[%swap3A_92, %swap3A_93] {strides = array<i32>} : memref<64x1024xf32, #tpu.memory_space<vmem>>, vector<1x16xf32>,
        %swap3A_95 = vector.shape_cast %swap3A_94 : vector<1x16xf32> to vector<16xf32>
        %swap3A_96 = vector.shape_cast %mul3A_91 : vector<16xf32> to vector<1x16xf32>
        tpu.vector_store %arg6[%swap3A_92, %swap3A_93], %swap3A_96 {strides = array<i32>} : memref<64x1024xf32, #tpu.memory_space<vmem>>, vector<1x16xf32>,
        %get3A_97 = arith.index_cast %scan3A_26 : i32 to index
        %get3A_98 = arith.constant 96 : index
        %get3A_99 = tpu.vector_load %arg6[%get3A_97, %get3A_98] {strides = array<i32>} : memref<64x1024xf32, #tpu.memory_space<vmem>>, vector<1x16xf32>,
        %get3A_100 = vector.shape_cast %get3A_99 : vector<1x16xf32> to vector<16xf32>
        %mul3A_101 = arith.constant 3.200000e+01 : f32
        %mul3A_102 = vector.broadcast %mul3A_101 : f32 to vector<16xf32>
        %mul3A_103 = arith.mulf %get3A_100, %mul3A_102 : vector<16xf32>
        %swap3A_104 = arith.index_cast %scan3A_26 : i32 to index
        %swap3A_105 = arith.constant 96 : index
        %swap3A_106 = tpu.vector_load %arg6[%swap3A_104, %swap3A_105] {strides = array<i32>} : memref<64x1024xf32, #tpu.memory_space<vmem>>, vector<1x16xf32>,
        %swap3A_107 = vector.shape_cast %swap3A_106 : vector<1x16xf32> to vector<16xf32>
        %swap3A_108 = vector.shape_cast %mul3A_103 : vector<16xf32> to vector<1x16xf32>
        tpu.vector_store %arg6[%swap3A_104, %swap3A_105], %swap3A_108 {strides = array<i32>} : memref<64x1024xf32, #tpu.memory_space<vmem>>, vector<1x16xf32>,
        %get3A_109 = arith.index_cast %scan3A_26 : i32 to index
        %get3A_110 = arith.constant 112 : index
        %get3A_111 = tpu.vector_load %arg6[%get3A_109, %get3A_110] {strides = array<i32>} : memref<64x1024xf32, #tpu.memory_space<vmem>>, vector<1x16xf32>,
        %get3A_112 = vector.shape_cast %get3A_111 : vector<1x16xf32> to vector<16xf32>
        %mul3A_113 = arith.constant 3.200000e+01 : f32
        %mul3A_114 = vector.broadcast %mul3A_113 : f32 to vector<16xf32>
        %mul3A_115 = arith.mulf %get3A_112, %mul3A_114 : vector<16xf32>
        %swap3A_116 = arith.index_cast %scan3A_26 : i32 to index
        %swap3A_117 = arith.constant 112 : index
        %swap3A_118 = tpu.vector_load %arg6[%swap3A_116, %swap3A_117] {strides = array<i32>} : memref<64x1024xf32, #tpu.memory_space<vmem>>, vector<1x16xf32>,
        %swap3A_119 = vector.shape_cast %swap3A_118 : vector<1x16xf32> to vector<16xf32>
        %swap3A_120 = vector.shape_cast %mul3A_115 : vector<16xf32> to vector<1x16xf32>
        tpu.vector_store %arg6[%swap3A_116, %swap3A_117], %swap3A_120 {strides = array<i32>} : memref<64x1024xf32, #tpu.memory_space<vmem>>, vector<1x16xf32>,
        %get3A_121 = arith.index_cast %scan3A_26 : i32 to index
        %get3A_122 = arith.constant 128 : index
        %get3A_123 = tpu.vector_load %arg6[%get3A_121, %get3A_122] {strides = array<i32>} : memref<64x1024xf32, #tpu.memory_space<vmem>>, vector<1x16xf32>,
        %get3A_124 = vector.shape_cast %get3A_123 : vector<1x16xf32> to vector<16xf32>
        %mul3A_125 = arith.constant 3.200000e+01 : f32
        %mul3A_126 = vector.broadcast %mul3A_125 : f32 to vector<16xf32>
        %mul3A_127 = arith.mulf %get3A_124, %mul3A_126 : vector<16xf32>
        %swap3A_128 = arith.index_cast %scan3A_26 : i32 to index
        %swap3A_129 = arith.constant 128 : index
        %swap3A_130 = tpu.vector_load %arg6[%swap3A_128, %swap3A_129] {strides = array<i32>} : memref<64x1024xf32, #tpu.memory_space<vmem>>, vector<1x16xf32>,
        %swap3A_131 = vector.shape_cast %swap3A_130 : vector<1x16xf32> to vector<16xf32>
        %swap3A_132 = vector.shape_cast %mul3A_127 : vector<16xf32> to vector<1x16xf32>
        tpu.vector_store %arg6[%swap3A_128, %swap3A_129], %swap3A_132 {strides = array<i32>} : memref<64x1024xf32, #tpu.memory_space<vmem>>, vector<1x16xf32>,
        %get3A_133 = arith.index_cast %scan3A_26 : i32 to index
        %get3A_134 = arith.constant 144 : index
        %get3A_135 = tpu.vector_load %arg6[%get3A_133, %get3A_134] {strides = array<i32>} : memref<64x1024xf32, #tpu.memory_space<vmem>>, vector<1x16xf32>,
        %get3A_136 = vector.shape_cast %get3A_135 : vector<1x16xf32> to vector<16xf32>
        %mul3A_137 = arith.constant 3.200000e+01 : f32
        %mul3A_138 = vector.broadcast %mul3A_137 : f32 to vector<16xf32>
        %mul3A_139 = arith.mulf %get3A_136, %mul3A_138 : vector<16xf32>
        %swap3A_140 = arith.index_cast %scan3A_26 : i32 to index
        %swap3A_141 = arith.constant 144 : index
        %swap3A_142 = tpu.vector_load %arg6[%swap3A_140, %swap3A_141] {strides = array<i32>} : memref<64x1024xf32, #tpu.memory_space<vmem>>, vector<1x16xf32>,
        %swap3A_143 = vector.shape_cast %swap3A_142 : vector<1x16xf32> to vector<16xf32>
        %swap3A_144 = vector.shape_cast %mul3A_139 : vector<16xf32> to vector<1x16xf32>
        tpu.vector_store %arg6[%swap3A_140, %swap3A_141], %swap3A_144 {strides = array<i32>} : memref<64x1024xf32, #tpu.memory_space<vmem>>, vector<1x16xf32>,
        %get3A_145 = arith.index_cast %scan3A_26 : i32 to index
        %get3A_146 = arith.constant 160 : index
        %get3A_147 = tpu.vector_load %arg6[%get3A_145, %get3A_146] {strides = array<i32>} : memref<64x1024xf32, #tpu.memory_space<vmem>>, vector<1x16xf32>,
        %get3A_148 = vector.shape_cast %get3A_147 : vector<1x16xf32> to vector<16xf32>
        %mul3A_149 = arith.constant 3.200000e+01 : f32
        %mul3A_150 = vector.broadcast %mul3A_149 : f32 to vector<16xf32>
        %mul3A_151 = arith.mulf %get3A_148, %mul3A_150 : vector<16xf32>
        %swap3A_152 = arith.index_cast %scan3A_26 : i32 to index
        %swap3A_153 = arith.constant 160 : index
        %swap3A_154 = tpu.vector_load %arg6[%swap3A_152, %swap3A_153] {strides = array<i32>} : memref<64x1024xf32, #tpu.memory_space<vmem>>, vector<1x16xf32>,
        %swap3A_155 = vector.shape_cast %swap3A_154 : vector<1x16xf32> to vector<16xf32>
        %swap3A_156 = vector.shape_cast %mul3A_151 : vector<16xf32> to vector<1x16xf32>
        tpu.vector_store %arg6[%swap3A_152, %swap3A_153], %swap3A_156 {strides = array<i32>} : memref<64x1024xf32, #tpu.memory_space<vmem>>, vector<1x16xf32>,
        %get3A_157 = arith.index_cast %scan3A_26 : i32 to index
        %get3A_158 = arith.constant 176 : index
        %get3A_159 = tpu.vector_load %arg6[%get3A_157, %get3A_158] {strides = array<i32>} : memref<64x1024xf32, #tpu.memory_space<vmem>>, vector<1x16xf32>,
        %get3A_160 = vector.shape_cast %get3A_159 : vector<1x16xf32> to vector<16xf32>
        %mul3A_161 = arith.constant 3.200000e+01 : f32
        %mul3A_162 = vector.broadcast %mul3A_161 : f32 to vector<16xf32>
        %mul3A_163 = arith.mulf %get3A_160, %mul3A_162 : vector<16xf32>
        %swap3A_164 = arith.index_cast %scan3A_26 : i32 to index
        %swap3A_165 = arith.constant 176 : index
        %swap3A_166 = tpu.vector_load %arg6[%swap3A_164, %swap3A_165] {strides = array<i32>} : memref<64x1024xf32, #tpu.memory_space<vmem>>, vector<1x16xf32>,
        %swap3A_167 = vector.shape_cast %swap3A_166 : vector<1x16xf32> to vector<16xf32>
        %swap3A_168 = vector.shape_cast %mul3A_163 : vector<16xf32> to vector<1x16xf32>
        tpu.vector_store %arg6[%swap3A_164, %swap3A_165], %swap3A_168 {strides = array<i32>} : memref<64x1024xf32, #tpu.memory_space<vmem>>, vector<1x16xf32>,
        %get3A_169 = arith.index_cast %scan3A_26 : i32 to index
        %get3A_170 = arith.constant 192 : index
        %get3A_171 = tpu.vector_load %arg6[%get3A_169, %get3A_170] {strides = array<i32>} : memref<64x1024xf32, #tpu.memory_space<vmem>>, vector<1x16xf32>,
        %get3A_172 = vector.shape_cast %get3A_171 : vector<1x16xf32> to vector<16xf32>
        %mul3A_173 = arith.constant 3.200000e+01 : f32
        %mul3A_174 = vector.broadcast %mul3A_173 : f32 to vector<16xf32>
        %mul3A_175 = arith.mulf %get3A_172, %mul3A_174 : vector<16xf32>
        %swap3A_176 = arith.index_cast %scan3A_26 : i32 to index
        %swap3A_177 = arith.constant 192 : index
        %swap3A_178 = tpu.vector_load %arg6[%swap3A_176, %swap3A_177] {strides = array<i32>} : memref<64x1024xf32, #tpu.memory_space<vmem>>, vector<1x16xf32>,
        %swap3A_179 = vector.shape_cast %swap3A_178 : vector<1x16xf32> to vector<16xf32>
        %swap3A_180 = vector.shape_cast %mul3A_175 : vector<16xf32> to vector<1x16xf32>
        tpu.vector_store %arg6[%swap3A_176, %swap3A_177], %swap3A_180 {strides = array<i32>} : memref<64x1024xf32, #tpu.memory_space<vmem>>, vector<1x16xf32>,
        %get3A_181 = arith.index_cast %scan3A_26 : i32 to index
        %get3A_182 = arith.constant 208 : index
        %get3A_183 = tpu.vector_load %arg6[%get3A_181, %get3A_182] {strides = array<i32>} : memref<64x1024xf32, #tpu.memory_space<vmem>>, vector<1x16xf32>,
        %get3A_184 = vector.shape_cast %get3A_183 : vector<1x16xf32> to vector<16xf32>
        %mul3A_185 = arith.constant 3.200000e+01 : f32
        %mul3A_186 = vector.broadcast %mul3A_185 : f32 to vector<16xf32>
        %mul3A_187 = arith.mulf %get3A_184, %mul3A_186 : vector<16xf32>
        %swap3A_188 = arith.index_cast %scan3A_26 : i32 to index
        %swap3A_189 = arith.constant 208 : index
        %swap3A_190 = tpu.vector_load %arg6[%swap3A_188, %swap3A_189] {strides = array<i32>} : memref<64x1024xf32, #tpu.memory_space<vmem>>, vector<1x16xf32>,
        %swap3A_191 = vector.shape_cast %swap3A_190 : vector<1x16xf32> to vector<16xf32>
        %swap3A_192 = vector.shape_cast %mul3A_187 : vector<16xf32> to vector<1x16xf32>
        tpu.vector_store %arg6[%swap3A_188, %swap3A_189], %swap3A_192 {strides = array<i32>} : memref<64x1024xf32, #tpu.memory_space<vmem>>, vector<1x16xf32>,
        %get3A_193 = arith.index_cast %scan3A_26 : i32 to index
        %get3A_194 = arith.constant 224 : index
        %get3A_195 = tpu.vector_load %arg6[%get3A_193, %get3A_194] {strides = array<i32>} : memref<64x1024xf32, #tpu.memory_space<vmem>>, vector<1x16xf32>,
        %get3A_196 = vector.shape_cast %get3A_195 : vector<1x16xf32> to vector<16xf32>
        %mul3A_197 = arith.constant 3.200000e+01 : f32
        %mul3A_198 = vector.broadcast %mul3A_197 : f32 to vector<16xf32>
        %mul3A_199 = arith.mulf %get3A_196, %mul3A_198 : vector<16xf32>
        %swap3A_200 = arith.index_cast %scan3A_26 : i32 to index
        %swap3A_201 = arith.constant 224 : index
        %swap3A_202 = tpu.vector_load %arg6[%swap3A_200, %swap3A_201] {strides = array<i32>} : memref<64x1024xf32, #tpu.memory_space<vmem>>, vector<1x16xf32>,
        %swap3A_203 = vector.shape_cast %swap3A_202 : vector<1x16xf32> to vector<16xf32>
        %swap3A_204 = vector.shape_cast %mul3A_199 : vector<16xf32> to vector<1x16xf32>
        tpu.vector_store %arg6[%swap3A_200, %swap3A_201], %swap3A_204 {strides = array<i32>} : memref<64x1024xf32, #tpu.memory_space<vmem>>, vector<1x16xf32>,
        %get3A_205 = arith.index_cast %scan3A_26 : i32 to index
        %get3A_206 = arith.constant 240 : index
        %get3A_207 = tpu.vector_load %arg6[%get3A_205, %get3A_206] {strides = array<i32>} : memref<64x1024xf32, #tpu.memory_space<vmem>>, vector<1x16xf32>,
        %get3A_208 = vector.shape_cast %get3A_207 : vector<1x16xf32> to vector<16xf32>
        %mul3A_209 = arith.constant 3.200000e+01 : f32
        %mul3A_210 = vector.broadcast %mul3A_209 : f32 to vector<16xf32>
        %mul3A_211 = arith.mulf %get3A_208, %mul3A_210 : vector<16xf32>
        %swap3A_212 = arith.index_cast %scan3A_26 : i32 to index
        %swap3A_213 = arith.constant 240 : index
        %swap3A_214 = tpu.vector_load %arg6[%swap3A_212, %swap3A_213] {strides = array<i32>} : memref<64x1024xf32, #tpu.memory_space<vmem>>, vector<1x16xf32>,
        %swap3A_215 = vector.shape_cast %swap3A_214 : vector<1x16xf32> to vector<16xf32>
        %swap3A_216 = vector.shape_cast %mul3A_211 : vector<16xf32> to vector<1x16xf32>
        tpu.vector_store %arg6[%swap3A_212, %swap3A_213], %swap3A_216 {strides = array<i32>} : memref<64x1024xf32, #tpu.memory_space<vmem>>, vector<1x16xf32>,
        %get3A_217 = arith.index_cast %scan3A_26 : i32 to index
        %get3A_218 = arith.constant 256 : index
        %get3A_219 = tpu.vector_load %arg6[%get3A_217, %get3A_218] {strides = array<i32>} : memref<64x1024xf32, #tpu.memory_space<vmem>>, vector<1x16xf32>,
        %get3A_220 = vector.shape_cast %get3A_219 : vector<1x16xf32> to vector<16xf32>
        %mul3A_221 = arith.constant 3.200000e+01 : f32
        %mul3A_222 = vector.broadcast %mul3A_221 : f32 to vector<16xf32>
        %mul3A_223 = arith.mulf %get3A_220, %mul3A_222 : vector<16xf32>
        %swap3A_224 = arith.index_cast %scan3A_26 : i32 to index
        %swap3A_225 = arith.constant 256 : index
        %swap3A_226 = tpu.vector_load %arg6[%swap3A_224, %swap3A_225] {strides = array<i32>} : memref<64x1024xf32, #tpu.memory_space<vmem>>, vector<1x16xf32>,
        %swap3A_227 = vector.shape_cast %swap3A_226 : vector<1x16xf32> to vector<16xf32>
        %swap3A_228 = vector.shape_cast %mul3A_223 : vector<16xf32> to vector<1x16xf32>
        tpu.vector_store %arg6[%swap3A_224, %swap3A_225], %swap3A_228 {strides = array<i32>} : memref<64x1024xf32, #tpu.memory_space<vmem>>, vector<1x16xf32>,
        %get3A_229 = arith.index_cast %scan3A_26 : i32 to index
        %get3A_230 = arith.constant 272 : index
        %get3A_231 = tpu.vector_load %arg6[%get3A_229, %get3A_230] {strides = array<i32>} : memref<64x1024xf32, #tpu.memory_space<vmem>>, vector<1x16xf32>,
        %get3A_232 = vector.shape_cast %get3A_231 : vector<1x16xf32> to vector<16xf32>
        %mul3A_233 = arith.constant 3.200000e+01 : f32
        %mul3A_234 = vector.broadcast %mul3A_233 : f32 to vector<16xf32>
        %mul3A_235 = arith.mulf %get3A_232, %mul3A_234 : vector<16xf32>
        %swap3A_236 = arith.index_cast %scan3A_26 : i32 to index
        %swap3A_237 = arith.constant 272 : index
        %swap3A_238 = tpu.vector_load %arg6[%swap3A_236, %swap3A_237] {strides = array<i32>} : memref<64x1024xf32, #tpu.memory_space<vmem>>, vector<1x16xf32>,
        %swap3A_239 = vector.shape_cast %swap3A_238 : vector<1x16xf32> to vector<16xf32>
        %swap3A_240 = vector.shape_cast %mul3A_235 : vector<16xf32> to vector<1x16xf32>
        tpu.vector_store %arg6[%swap3A_236, %swap3A_237], %swap3A_240 {strides = array<i32>} : memref<64x1024xf32, #tpu.memory_space<vmem>>, vector<1x16xf32>,
        %get3A_241 = arith.index_cast %scan3A_26 : i32 to index
        %get3A_242 = arith.constant 288 : index
        %get3A_243 = tpu.vector_load %arg6[%get3A_241, %get3A_242] {strides = array<i32>} : memref<64x1024xf32, #tpu.memory_space<vmem>>, vector<1x16xf32>,
        %get3A_244 = vector.shape_cast %get3A_243 : vector<1x16xf32> to vector<16xf32>
        %mul3A_245 = arith.constant 3.200000e+01 : f32
        %mul3A_246 = vector.broadcast %mul3A_245 : f32 to vector<16xf32>
        %mul3A_247 = arith.mulf %get3A_244, %mul3A_246 : vector<16xf32>
        %swap3A_248 = arith.index_cast %scan3A_26 : i32 to index
        %swap3A_249 = arith.constant 288 : index
        %swap3A_250 = tpu.vector_load %arg6[%swap3A_248, %swap3A_249] {strides = array<i32>} : memref<64x1024xf32, #tpu.memory_space<vmem>>, vector<1x16xf32>,
        %swap3A_251 = vector.shape_cast %swap3A_250 : vector<1x16xf32> to vector<16xf32>
        %swap3A_252 = vector.shape_cast %mul3A_247 : vector<16xf32> to vector<1x16xf32>
        tpu.vector_store %arg6[%swap3A_248, %swap3A_249], %swap3A_252 {strides = array<i32>} : memref<64x1024xf32, #tpu.memory_space<vmem>>, vector<1x16xf32>,
        %get3A_253 = arith.index_cast %scan3A_26 : i32 to index
        %get3A_254 = arith.constant 304 : index
        %get3A_255 = tpu.vector_load %arg6[%get3A_253, %get3A_254] {strides = array<i32>} : memref<64x1024xf32, #tpu.memory_space<vmem>>, vector<1x16xf32>,
        %get3A_256 = vector.shape_cast %get3A_255 : vector<1x16xf32> to vector<16xf32>
        %mul3A_257 = arith.constant 3.200000e+01 : f32
        %mul3A_258 = vector.broadcast %mul3A_257 : f32 to vector<16xf32>
        %mul3A_259 = arith.mulf %get3A_256, %mul3A_258 : vector<16xf32>
        %swap3A_260 = arith.index_cast %scan3A_26 : i32 to index
        %swap3A_261 = arith.constant 304 : index
        %swap3A_262 = tpu.vector_load %arg6[%swap3A_260, %swap3A_261] {strides = array<i32>} : memref<64x1024xf32, #tpu.memory_space<vmem>>, vector<1x16xf32>,
        %swap3A_263 = vector.shape_cast %swap3A_262 : vector<1x16xf32> to vector<16xf32>
        %swap3A_264 = vector.shape_cast %mul3A_259 : vector<16xf32> to vector<1x16xf32>
        tpu.vector_store %arg6[%swap3A_260, %swap3A_261], %swap3A_264 {strides = array<i32>} : memref<64x1024xf32, #tpu.memory_space<vmem>>, vector<1x16xf32>,
        %get3A_265 = arith.index_cast %scan3A_26 : i32 to index
        %get3A_266 = arith.constant 320 : index
        %get3A_267 = tpu.vector_load %arg6[%get3A_265, %get3A_266] {strides = array<i32>} : memref<64x1024xf32, #tpu.memory_space<vmem>>, vector<1x16xf32>,
        %get3A_268 = vector.shape_cast %get3A_267 : vector<1x16xf32> to vector<16xf32>
        %mul3A_269 = arith.constant 3.200000e+01 : f32
        %mul3A_270 = vector.broadcast %mul3A_269 : f32 to vector<16xf32>
        %mul3A_271 = arith.mulf %get3A_268, %mul3A_270 : vector<16xf32>
        %swap3A_272 = arith.index_cast %scan3A_26 : i32 to index
        %swap3A_273 = arith.constant 320 : index
        %swap3A_274 = tpu.vector_load %arg6[%swap3A_272, %swap3A_273] {strides = array<i32>} : memref<64x1024xf32, #tpu.memory_space<vmem>>, vector<1x16xf32>,
        %swap3A_275 = vector.shape_cast %swap3A_274 : vector<1x16xf32> to vector<16xf32>
        %swap3A_276 = vector.shape_cast %mul3A_271 : vector<16xf32> to vector<1x16xf32>
        tpu.vector_store %arg6[%swap3A_272, %swap3A_273], %swap3A_276 {strides = array<i32>} : memref<64x1024xf32, #tpu.memory_space<vmem>>, vector<1x16xf32>,
        %get3A_277 = arith.index_cast %scan3A_26 : i32 to index
        %get3A_278 = arith.constant 336 : index
        %get3A_279 = tpu.vector_load %arg6[%get3A_277, %get3A_278] {strides = array<i32>} : memref<64x1024xf32, #tpu.memory_space<vmem>>, vector<1x16xf32>,
        %get3A_280 = vector.shape_cast %get3A_279 : vector<1x16xf32> to vector<16xf32>
        %mul3A_281 = arith.constant 3.200000e+01 : f32
        %mul3A_282 = vector.broadcast %mul3A_281 : f32 to vector<16xf32>
        %mul3A_283 = arith.mulf %get3A_280, %mul3A_282 : vector<16xf32>
        %swap3A_284 = arith.index_cast %scan3A_26 : i32 to index
        %swap3A_285 = arith.constant 336 : index
        %swap3A_286 = tpu.vector_load %arg6[%swap3A_284, %swap3A_285] {strides = array<i32>} : memref<64x1024xf32, #tpu.memory_space<vmem>>, vector<1x16xf32>,
        %swap3A_287 = vector.shape_cast %swap3A_286 : vector<1x16xf32> to vector<16xf32>
        %swap3A_288 = vector.shape_cast %mul3A_283 : vector<16xf32> to vector<1x16xf32>
        tpu.vector_store %arg6[%swap3A_284, %swap3A_285], %swap3A_288 {strides = array<i32>} : memref<64x1024xf32, #tpu.memory_space<vmem>>, vector<1x16xf32>,
        %get3A_289 = arith.index_cast %scan3A_26 : i32 to index
        %get3A_290 = arith.constant 352 : index
        %get3A_291 = tpu.vector_load %arg6[%get3A_289, %get3A_290] {strides = array<i32>} : memref<64x1024xf32, #tpu.memory_space<vmem>>, vector<1x16xf32>,
        %get3A_292 = vector.shape_cast %get3A_291 : vector<1x16xf32> to vector<16xf32>
        %mul3A_293 = arith.constant 3.200000e+01 : f32
        %mul3A_294 = vector.broadcast %mul3A_293 : f32 to vector<16xf32>
        %mul3A_295 = arith.mulf %get3A_292, %mul3A_294 : vector<16xf32>
        %swap3A_296 = arith.index_cast %scan3A_26 : i32 to index
        %swap3A_297 = arith.constant 352 : index
        %swap3A_298 = tpu.vector_load %arg6[%swap3A_296, %swap3A_297] {strides = array<i32>} : memref<64x1024xf32, #tpu.memory_space<vmem>>, vector<1x16xf32>,
        %swap3A_299 = vector.shape_cast %swap3A_298 : vector<1x16xf32> to vector<16xf32>
        %swap3A_300 = vector.shape_cast %mul3A_295 : vector<16xf32> to vector<1x16xf32>
        tpu.vector_store %arg6[%swap3A_296, %swap3A_297], %swap3A_300 {strides = array<i32>} : memref<64x1024xf32, #tpu.memory_space<vmem>>, vector<1x16xf32>,
        %get3A_301 = arith.index_cast %scan3A_26 : i32 to index
        %get3A_302 = arith.constant 368 : index
        %get3A_303 = tpu.vector_load %arg6[%get3A_301, %get3A_302] {strides = array<i32>} : memref<64x1024xf32, #tpu.memory_space<vmem>>, vector<1x16xf32>,
        %get3A_304 = vector.shape_cast %get3A_303 : vector<1x16xf32> to vector<16xf32>
        %mul3A_305 = arith.constant 3.200000e+01 : f32
        %mul3A_306 = vector.broadcast %mul3A_305 : f32 to vector<16xf32>
        %mul3A_307 = arith.mulf %get3A_304, %mul3A_306 : vector<16xf32>
        %swap3A_308 = arith.index_cast %scan3A_26 : i32 to index
        %swap3A_309 = arith.constant 368 : index
        %swap3A_310 = tpu.vector_load %arg6[%swap3A_308, %swap3A_309] {strides = array<i32>} : memref<64x1024xf32, #tpu.memory_space<vmem>>, vector<1x16xf32>,
        %swap3A_311 = vector.shape_cast %swap3A_310 : vector<1x16xf32> to vector<16xf32>
        %swap3A_312 = vector.shape_cast %mul3A_307 : vector<16xf32> to vector<1x16xf32>
        tpu.vector_store %arg6[%swap3A_308, %swap3A_309], %swap3A_312 {strides = array<i32>} : memref<64x1024xf32, #tpu.memory_space<vmem>>, vector<1x16xf32>,
        %get3A_313 = arith.index_cast %scan3A_26 : i32 to index
        %get3A_314 = arith.constant 384 : index
        %get3A_315 = tpu.vector_load %arg6[%get3A_313, %get3A_314] {strides = array<i32>} : memref<64x1024xf32, #tpu.memory_space<vmem>>, vector<1x16xf32>,
        %get3A_316 = vector.shape_cast %get3A_315 : vector<1x16xf32> to vector<16xf32>
        %mul3A_317 = arith.constant 3.200000e+01 : f32
        %mul3A_318 = vector.broadcast %mul3A_317 : f32 to vector<16xf32>
        %mul3A_319 = arith.mulf %get3A_316, %mul3A_318 : vector<16xf32>
        %swap3A_320 = arith.index_cast %scan3A_26 : i32 to index
        %swap3A_321 = arith.constant 384 : index
        %swap3A_322 = tpu.vector_load %arg6[%swap3A_320, %swap3A_321] {strides = array<i32>} : memref<64x1024xf32, #tpu.memory_space<vmem>>, vector<1x16xf32>,
        %swap3A_323 = vector.shape_cast %swap3A_322 : vector<1x16xf32> to vector<16xf32>
        %swap3A_324 = vector.shape_cast %mul3A_319 : vector<16xf32> to vector<1x16xf32>
        tpu.vector_store %arg6[%swap3A_320, %swap3A_321], %swap3A_324 {strides = array<i32>} : memref<64x1024xf32, #tpu.memory_space<vmem>>, vector<1x16xf32>,
        %get3A_325 = arith.index_cast %scan3A_26 : i32 to index
        %get3A_326 = arith.constant 400 : index
        %get3A_327 = tpu.vector_load %arg6[%get3A_325, %get3A_326] {strides = array<i32>} : memref<64x1024xf32, #tpu.memory_space<vmem>>, vector<1x16xf32>,
        %get3A_328 = vector.shape_cast %get3A_327 : vector<1x16xf32> to vector<16xf32>
        %mul3A_329 = arith.constant 3.200000e+01 : f32
        %mul3A_330 = vector.broadcast %mul3A_329 : f32 to vector<16xf32>
        %mul3A_331 = arith.mulf %get3A_328, %mul3A_330 : vector<16xf32>
        %swap3A_332 = arith.index_cast %scan3A_26 : i32 to index
        %swap3A_333 = arith.constant 400 : index
        %swap3A_334 = tpu.vector_load %arg6[%swap3A_332, %swap3A_333] {strides = array<i32>} : memref<64x1024xf32, #tpu.memory_space<vmem>>, vector<1x16xf32>,
        %swap3A_335 = vector.shape_cast %swap3A_334 : vector<1x16xf32> to vector<16xf32>
        %swap3A_336 = vector.shape_cast %mul3A_331 : vector<16xf32> to vector<1x16xf32>
        tpu.vector_store %arg6[%swap3A_332, %swap3A_333], %swap3A_336 {strides = array<i32>} : memref<64x1024xf32, #tpu.memory_space<vmem>>, vector<1x16xf32>,
        %get3A_337 = arith.index_cast %scan3A_26 : i32 to index
        %get3A_338 = arith.constant 416 : index
        %get3A_339 = tpu.vector_load %arg6[%get3A_337, %get3A_338] {strides = array<i32>} : memref<64x1024xf32, #tpu.memory_space<vmem>>, vector<1x16xf32>,
        %get3A_340 = vector.shape_cast %get3A_339 : vector<1x16xf32> to vector<16xf32>
        %mul3A_341 = arith.constant 3.200000e+01 : f32
        %mul3A_342 = vector.broadcast %mul3A_341 : f32 to vector<16xf32>
        %mul3A_343 = arith.mulf %get3A_340, %mul3A_342 : vector<16xf32>
        %swap3A_344 = arith.index_cast %scan3A_26 : i32 to index
        %swap3A_345 = arith.constant 416 : index
        %swap3A_346 = tpu.vector_load %arg6[%swap3A_344, %swap3A_345] {strides = array<i32>} : memref<64x1024xf32, #tpu.memory_space<vmem>>, vector<1x16xf32>,
        %swap3A_347 = vector.shape_cast %swap3A_346 : vector<1x16xf32> to vector<16xf32>
        %swap3A_348 = vector.shape_cast %mul3A_343 : vector<16xf32> to vector<1x16xf32>
        tpu.vector_store %arg6[%swap3A_344, %swap3A_345], %swap3A_348 {strides = array<i32>} : memref<64x1024xf32, #tpu.memory_space<vmem>>, vector<1x16xf32>,
        %get3A_349 = arith.index_cast %scan3A_26 : i32 to index
        %get3A_350 = arith.constant 432 : index
        %get3A_351 = tpu.vector_load %arg6[%get3A_349, %get3A_350] {strides = array<i32>} : memref<64x1024xf32, #tpu.memory_space<vmem>>, vector<1x16xf32>,
        %get3A_352 = vector.shape_cast %get3A_351 : vector<1x16xf32> to vector<16xf32>
        %mul3A_353 = arith.constant 3.200000e+01 : f32
        %mul3A_354 = vector.broadcast %mul3A_353 : f32 to vector<16xf32>
        %mul3A_355 = arith.mulf %get3A_352, %mul3A_354 : vector<16xf32>
        %swap3A_356 = arith.index_cast %scan3A_26 : i32 to index
        %swap3A_357 = arith.constant 432 : index
        %swap3A_358 = tpu.vector_load %arg6[%swap3A_356, %swap3A_357] {strides = array<i32>} : memref<64x1024xf32, #tpu.memory_space<vmem>>, vector<1x16xf32>,
        %swap3A_359 = vector.shape_cast %swap3A_358 : vector<1x16xf32> to vector<16xf32>
        %swap3A_360 = vector.shape_cast %mul3A_355 : vector<16xf32> to vector<1x16xf32>
        tpu.vector_store %arg6[%swap3A_356, %swap3A_357], %swap3A_360 {strides = array<i32>} : memref<64x1024xf32, #tpu.memory_space<vmem>>, vector<1x16xf32>,
        %get3A_361 = arith.index_cast %scan3A_26 : i32 to index
        %get3A_362 = arith.constant 448 : index
        %get3A_363 = tpu.vector_load %arg6[%get3A_361, %get3A_362] {strides = array<i32>} : memref<64x1024xf32, #tpu.memory_space<vmem>>, vector<1x16xf32>,
        %get3A_364 = vector.shape_cast %get3A_363 : vector<1x16xf32> to vector<16xf32>
        %mul3A_365 = arith.constant 3.200000e+01 : f32
        %mul3A_366 = vector.broadcast %mul3A_365 : f32 to vector<16xf32>
        %mul3A_367 = arith.mulf %get3A_364, %mul3A_366 : vector<16xf32>
        %swap3A_368 = arith.index_cast %scan3A_26 : i32 to index
        %swap3A_369 = arith.constant 448 : index
        %swap3A_370 = tpu.vector_load %arg6[%swap3A_368, %swap3A_369] {strides = array<i32>} : memref<64x1024xf32, #tpu.memory_space<vmem>>, vector<1x16xf32>,
        %swap3A_371 = vector.shape_cast %swap3A_370 : vector<1x16xf32> to vector<16xf32>
        %swap3A_372 = vector.shape_cast %mul3A_367 : vector<16xf32> to vector<1x16xf32>
        tpu.vector_store %arg6[%swap3A_368, %swap3A_369], %swap3A_372 {strides = array<i32>} : memref<64x1024xf32, #tpu.memory_space<vmem>>, vector<1x16xf32>,
        %get3A_373 = arith.index_cast %scan3A_26 : i32 to index
        %get3A_374 = arith.constant 464 : index
        %get3A_375 = tpu.vector_load %arg6[%get3A_373, %get3A_374] {strides = array<i32>} : memref<64x1024xf32, #tpu.memory_space<vmem>>, vector<1x16xf32>,
        %get3A_376 = vector.shape_cast %get3A_375 : vector<1x16xf32> to vector<16xf32>
        %mul3A_377 = arith.constant 3.200000e+01 : f32
        %mul3A_378 = vector.broadcast %mul3A_377 : f32 to vector<16xf32>
        %mul3A_379 = arith.mulf %get3A_376, %mul3A_378 : vector<16xf32>
        %swap3A_380 = arith.index_cast %scan3A_26 : i32 to index
        %swap3A_381 = arith.constant 464 : index
        %swap3A_382 = tpu.vector_load %arg6[%swap3A_380, %swap3A_381] {strides = array<i32>} : memref<64x1024xf32, #tpu.memory_space<vmem>>, vector<1x16xf32>,
        %swap3A_383 = vector.shape_cast %swap3A_382 : vector<1x16xf32> to vector<16xf32>
        %swap3A_384 = vector.shape_cast %mul3A_379 : vector<16xf32> to vector<1x16xf32>
        tpu.vector_store %arg6[%swap3A_380, %swap3A_381], %swap3A_384 {strides = array<i32>} : memref<64x1024xf32, #tpu.memory_space<vmem>>, vector<1x16xf32>,
        %get3A_385 = arith.index_cast %scan3A_26 : i32 to index
        %get3A_386 = arith.constant 480 : index
        %get3A_387 = tpu.vector_load %arg6[%get3A_385, %get3A_386] {strides = array<i32>} : memref<64x1024xf32, #tpu.memory_space<vmem>>, vector<1x16xf32>,
        %get3A_388 = vector.shape_cast %get3A_387 : vector<1x16xf32> to vector<16xf32>
        %mul3A_389 = arith.constant 3.200000e+01 : f32
        %mul3A_390 = vector.broadcast %mul3A_389 : f32 to vector<16xf32>
        %mul3A_391 = arith.mulf %get3A_388, %mul3A_390 : vector<16xf32>
        %swap3A_392 = arith.index_cast %scan3A_26 : i32 to index
        %swap3A_393 = arith.constant 480 : index
        %swap3A_394 = tpu.vector_load %arg6[%swap3A_392, %swap3A_393] {strides = array<i32>} : memref<64x1024xf32, #tpu.memory_space<vmem>>, vector<1x16xf32>,
        %swap3A_395 = vector.shape_cast %swap3A_394 : vector<1x16xf32> to vector<16xf32>
        %swap3A_396 = vector.shape_cast %mul3A_391 : vector<16xf32> to vector<1x16xf32>
        tpu.vector_store %arg6[%swap3A_392, %swap3A_393], %swap3A_396 {strides = array<i32>} : memref<64x1024xf32, #tpu.memory_space<vmem>>, vector<1x16xf32>,
        %get3A_397 = arith.index_cast %scan3A_26 : i32 to index
        %get3A_398 = arith.constant 496 : index
        %get3A_399 = tpu.vector_load %arg6[%get3A_397, %get3A_398] {strides = array<i32>} : memref<64x1024xf32, #tpu.memory_space<vmem>>, vector<1x16xf32>,
        %get3A_400 = vector.shape_cast %get3A_399 : vector<1x16xf32> to vector<16xf32>
        %mul3A_401 = arith.constant 3.200000e+01 : f32
        %mul3A_402 = vector.broadcast %mul3A_401 : f32 to vector<16xf32>
        %mul3A_403 = arith.mulf %get3A_400, %mul3A_402 : vector<16xf32>
        %swap3A_404 = arith.index_cast %scan3A_26 : i32 to index
        %swap3A_405 = arith.constant 496 : index
        %swap3A_406 = tpu.vector_load %arg6[%swap3A_404, %swap3A_405] {strides = array<i32>} : memref<64x1024xf32, #tpu.memory_space<vmem>>, vector<1x16xf32>,
        %swap3A_407 = vector.shape_cast %swap3A_406 : vector<1x16xf32> to vector<16xf32>
        %swap3A_408 = vector.shape_cast %mul3A_403 : vector<16xf32> to vector<1x16xf32>
        tpu.vector_store %arg6[%swap3A_404, %swap3A_405], %swap3A_408 {strides = array<i32>} : memref<64x1024xf32, #tpu.memory_space<vmem>>, vector<1x16xf32>,
        %get3A_409 = arith.index_cast %scan3A_26 : i32 to index
        %get3A_410 = arith.constant 512 : index
        %get3A_411 = tpu.vector_load %arg6[%get3A_409, %get3A_410] {strides = array<i32>} : memref<64x1024xf32, #tpu.memory_space<vmem>>, vector<1x16xf32>,
        %get3A_412 = vector.shape_cast %get3A_411 : vector<1x16xf32> to vector<16xf32>
        %mul3A_413 = arith.constant 3.200000e+01 : f32
        %mul3A_414 = vector.broadcast %mul3A_413 : f32 to vector<16xf32>
        %mul3A_415 = arith.mulf %get3A_412, %mul3A_414 : vector<16xf32>
        %swap3A_416 = arith.index_cast %scan3A_26 : i32 to index
        %swap3A_417 = arith.constant 512 : index
        %swap3A_418 = tpu.vector_load %arg6[%swap3A_416, %swap3A_417] {strides = array<i32>} : memref<64x1024xf32, #tpu.memory_space<vmem>>, vector<1x16xf32>,
        %swap3A_419 = vector.shape_cast %swap3A_418 : vector<1x16xf32> to vector<16xf32>
        %swap3A_420 = vector.shape_cast %mul3A_415 : vector<16xf32> to vector<1x16xf32>
        tpu.vector_store %arg6[%swap3A_416, %swap3A_417], %swap3A_420 {strides = array<i32>} : memref<64x1024xf32, #tpu.memory_space<vmem>>, vector<1x16xf32>,
        %get3A_421 = arith.index_cast %scan3A_26 : i32 to index
        %get3A_422 = arith.constant 528 : index
        %get3A_423 = tpu.vector_load %arg6[%get3A_421, %get3A_422] {strides = array<i32>} : memref<64x1024xf32, #tpu.memory_space<vmem>>, vector<1x16xf32>,
        %get3A_424 = vector.shape_cast %get3A_423 : vector<1x16xf32> to vector<16xf32>
        %mul3A_425 = arith.constant 3.200000e+01 : f32
        %mul3A_426 = vector.broadcast %mul3A_425 : f32 to vector<16xf32>
        %mul3A_427 = arith.mulf %get3A_424, %mul3A_426 : vector<16xf32>
        %swap3A_428 = arith.index_cast %scan3A_26 : i32 to index
        %swap3A_429 = arith.constant 528 : index
        %swap3A_430 = tpu.vector_load %arg6[%swap3A_428, %swap3A_429] {strides = array<i32>} : memref<64x1024xf32, #tpu.memory_space<vmem>>, vector<1x16xf32>,
        %swap3A_431 = vector.shape_cast %swap3A_430 : vector<1x16xf32> to vector<16xf32>
        %swap3A_432 = vector.shape_cast %mul3A_427 : vector<16xf32> to vector<1x16xf32>
        tpu.vector_store %arg6[%swap3A_428, %swap3A_429], %swap3A_432 {strides = array<i32>} : memref<64x1024xf32, #tpu.memory_space<vmem>>, vector<1x16xf32>,
        %get3A_433 = arith.index_cast %scan3A_26 : i32 to index
        %get3A_434 = arith.constant 544 : index
        %get3A_435 = tpu.vector_load %arg6[%get3A_433, %get3A_434] {strides = array<i32>} : memref<64x1024xf32, #tpu.memory_space<vmem>>, vector<1x16xf32>,
        %get3A_436 = vector.shape_cast %get3A_435 : vector<1x16xf32> to vector<16xf32>
        %mul3A_437 = arith.constant 3.200000e+01 : f32
        %mul3A_438 = vector.broadcast %mul3A_437 : f32 to vector<16xf32>
        %mul3A_439 = arith.mulf %get3A_436, %mul3A_438 : vector<16xf32>
        %swap3A_440 = arith.index_cast %scan3A_26 : i32 to index
        %swap3A_441 = arith.constant 544 : index
        %swap3A_442 = tpu.vector_load %arg6[%swap3A_440, %swap3A_441] {strides = array<i32>} : memref<64x1024xf32, #tpu.memory_space<vmem>>, vector<1x16xf32>,
        %swap3A_443 = vector.shape_cast %swap3A_442 : vector<1x16xf32> to vector<16xf32>
        %swap3A_444 = vector.shape_cast %mul3A_439 : vector<16xf32> to vector<1x16xf32>
        tpu.vector_store %arg6[%swap3A_440, %swap3A_441], %swap3A_444 {strides = array<i32>} : memref<64x1024xf32, #tpu.memory_space<vmem>>, vector<1x16xf32>,
        %get3A_445 = arith.index_cast %scan3A_26 : i32 to index
        %get3A_446 = arith.constant 560 : index
        %get3A_447 = tpu.vector_load %arg6[%get3A_445, %get3A_446] {strides = array<i32>} : memref<64x1024xf32, #tpu.memory_space<vmem>>, vector<1x16xf32>,
        %get3A_448 = vector.shape_cast %get3A_447 : vector<1x16xf32> to vector<16xf32>
        %mul3A_449 = arith.constant 3.200000e+01 : f32
        %mul3A_450 = vector.broadcast %mul3A_449 : f32 to vector<16xf32>
        %mul3A_451 = arith.mulf %get3A_448, %mul3A_450 : vector<16xf32>
        %swap3A_452 = arith.index_cast %scan3A_26 : i32 to index
        %swap3A_453 = arith.constant 560 : index
        %swap3A_454 = tpu.vector_load %arg6[%swap3A_452, %swap3A_453] {strides = array<i32>} : memref<64x1024xf32, #tpu.memory_space<vmem>>, vector<1x16xf32>,
        %swap3A_455 = vector.shape_cast %swap3A_454 : vector<1x16xf32> to vector<16xf32>
        %swap3A_456 = vector.shape_cast %mul3A_451 : vector<16xf32> to vector<1x16xf32>
        tpu.vector_store %arg6[%swap3A_452, %swap3A_453], %swap3A_456 {strides = array<i32>} : memref<64x1024xf32, #tpu.memory_space<vmem>>, vector<1x16xf32>,
        %get3A_457 = arith.index_cast %scan3A_26 : i32 to index
        %get3A_458 = arith.constant 576 : index
        %get3A_459 = tpu.vector_load %arg6[%get3A_457, %get3A_458] {strides = array<i32>} : memref<64x1024xf32, #tpu.memory_space<vmem>>, vector<1x16xf32>,
        %get3A_460 = vector.shape_cast %get3A_459 : vector<1x16xf32> to vector<16xf32>
        %mul3A_461 = arith.constant 3.200000e+01 : f32
        %mul3A_462 = vector.broadcast %mul3A_461 : f32 to vector<16xf32>
        %mul3A_463 = arith.mulf %get3A_460, %mul3A_462 : vector<16xf32>
        %swap3A_464 = arith.index_cast %scan3A_26 : i32 to index
        %swap3A_465 = arith.constant 576 : index
        %swap3A_466 = tpu.vector_load %arg6[%swap3A_464, %swap3A_465] {strides = array<i32>} : memref<64x1024xf32, #tpu.memory_space<vmem>>, vector<1x16xf32>,
        %swap3A_467 = vector.shape_cast %swap3A_466 : vector<1x16xf32> to vector<16xf32>
        %swap3A_468 = vector.shape_cast %mul3A_463 : vector<16xf32> to vector<1x16xf32>
        tpu.vector_store %arg6[%swap3A_464, %swap3A_465], %swap3A_468 {strides = array<i32>} : memref<64x1024xf32, #tpu.memory_space<vmem>>, vector<1x16xf32>,
        %get3A_469 = arith.index_cast %scan3A_26 : i32 to index
        %get3A_470 = arith.constant 592 : index
        %get3A_471 = tpu.vector_load %arg6[%get3A_469, %get3A_470] {strides = array<i32>} : memref<64x1024xf32, #tpu.memory_space<vmem>>, vector<1x16xf32>,
        %get3A_472 = vector.shape_cast %get3A_471 : vector<1x16xf32> to vector<16xf32>
        %mul3A_473 = arith.constant 3.200000e+01 : f32
        %mul3A_474 = vector.broadcast %mul3A_473 : f32 to vector<16xf32>
        %mul3A_475 = arith.mulf %get3A_472, %mul3A_474 : vector<16xf32>
        %swap3A_476 = arith.index_cast %scan3A_26 : i32 to index
        %swap3A_477 = arith.constant 592 : index
        %swap3A_478 = tpu.vector_load %arg6[%swap3A_476, %swap3A_477] {strides = array<i32>} : memref<64x1024xf32, #tpu.memory_space<vmem>>, vector<1x16xf32>,
        %swap3A_479 = vector.shape_cast %swap3A_478 : vector<1x16xf32> to vector<16xf32>
        %swap3A_480 = vector.shape_cast %mul3A_475 : vector<16xf32> to vector<1x16xf32>
        tpu.vector_store %arg6[%swap3A_476, %swap3A_477], %swap3A_480 {strides = array<i32>} : memref<64x1024xf32, #tpu.memory_space<vmem>>, vector<1x16xf32>,
        %get3A_481 = arith.index_cast %scan3A_26 : i32 to index
        %get3A_482 = arith.constant 608 : index
        %get3A_483 = tpu.vector_load %arg6[%get3A_481, %get3A_482] {strides = array<i32>} : memref<64x1024xf32, #tpu.memory_space<vmem>>, vector<1x16xf32>,
        %get3A_484 = vector.shape_cast %get3A_483 : vector<1x16xf32> to vector<16xf32>
        %mul3A_485 = arith.constant 3.200000e+01 : f32
        %mul3A_486 = vector.broadcast %mul3A_485 : f32 to vector<16xf32>
        %mul3A_487 = arith.mulf %get3A_484, %mul3A_486 : vector<16xf32>
        %swap3A_488 = arith.index_cast %scan3A_26 : i32 to index
        %swap3A_489 = arith.constant 608 : index
        %swap3A_490 = tpu.vector_load %arg6[%swap3A_488, %swap3A_489] {strides = array<i32>} : memref<64x1024xf32, #tpu.memory_space<vmem>>, vector<1x16xf32>,
        %swap3A_491 = vector.shape_cast %swap3A_490 : vector<1x16xf32> to vector<16xf32>
        %swap3A_492 = vector.shape_cast %mul3A_487 : vector<16xf32> to vector<1x16xf32>
        tpu.vector_store %arg6[%swap3A_488, %swap3A_489], %swap3A_492 {strides = array<i32>} : memref<64x1024xf32, #tpu.memory_space<vmem>>, vector<1x16xf32>,
        %get3A_493 = arith.index_cast %scan3A_26 : i32 to index
        %get3A_494 = arith.constant 624 : index
        %get3A_495 = tpu.vector_load %arg6[%get3A_493, %get3A_494] {strides = array<i32>} : memref<64x1024xf32, #tpu.memory_space<vmem>>, vector<1x16xf32>,
        %get3A_496 = vector.shape_cast %get3A_495 : vector<1x16xf32> to vector<16xf32>
        %mul3A_497 = arith.constant 3.200000e+01 : f32
        %mul3A_498 = vector.broadcast %mul3A_497 : f32 to vector<16xf32>
        %mul3A_499 = arith.mulf %get3A_496, %mul3A_498 : vector<16xf32>
        %swap3A_500 = arith.index_cast %scan3A_26 : i32 to index
        %swap3A_501 = arith.constant 624 : index
        %swap3A_502 = tpu.vector_load %arg6[%swap3A_500, %swap3A_501] {strides = array<i32>} : memref<64x1024xf32, #tpu.memory_space<vmem>>, vector<1x16xf32>,
        %swap3A_503 = vector.shape_cast %swap3A_502 : vector<1x16xf32> to vector<16xf32>
        %swap3A_504 = vector.shape_cast %mul3A_499 : vector<16xf32> to vector<1x16xf32>
        tpu.vector_store %arg6[%swap3A_500, %swap3A_501], %swap3A_504 {strides = array<i32>} : memref<64x1024xf32, #tpu.memory_space<vmem>>, vector<1x16xf32>,
        %get3A_505 = arith.index_cast %scan3A_26 : i32 to index
        %get3A_506 = arith.constant 640 : index
        %get3A_507 = tpu.vector_load %arg6[%get3A_505, %get3A_506] {strides = array<i32>} : memref<64x1024xf32, #tpu.memory_space<vmem>>, vector<1x16xf32>,
        %get3A_508 = vector.shape_cast %get3A_507 : vector<1x16xf32> to vector<16xf32>
        %mul3A_509 = arith.constant 3.200000e+01 : f32
        %mul3A_510 = vector.broadcast %mul3A_509 : f32 to vector<16xf32>
        %mul3A_511 = arith.mulf %get3A_508, %mul3A_510 : vector<16xf32>
        %swap3A_512 = arith.index_cast %scan3A_26 : i32 to index
        %swap3A_513 = arith.constant 640 : index
        %swap3A_514 = tpu.vector_load %arg6[%swap3A_512, %swap3A_513] {strides = array<i32>} : memref<64x1024xf32, #tpu.memory_space<vmem>>, vector<1x16xf32>,
        %swap3A_515 = vector.shape_cast %swap3A_514 : vector<1x16xf32> to vector<16xf32>
        %swap3A_516 = vector.shape_cast %mul3A_511 : vector<16xf32> to vector<1x16xf32>
        tpu.vector_store %arg6[%swap3A_512, %swap3A_513], %swap3A_516 {strides = array<i32>} : memref<64x1024xf32, #tpu.memory_space<vmem>>, vector<1x16xf32>,
        %get3A_517 = arith.index_cast %scan3A_26 : i32 to index
        %get3A_518 = arith.constant 656 : index
        %get3A_519 = tpu.vector_load %arg6[%get3A_517, %get3A_518] {strides = array<i32>} : memref<64x1024xf32, #tpu.memory_space<vmem>>, vector<1x16xf32>,
        %get3A_520 = vector.shape_cast %get3A_519 : vector<1x16xf32> to vector<16xf32>
        %mul3A_521 = arith.constant 3.200000e+01 : f32
        %mul3A_522 = vector.broadcast %mul3A_521 : f32 to vector<16xf32>
        %mul3A_523 = arith.mulf %get3A_520, %mul3A_522 : vector<16xf32>
        %swap3A_524 = arith.index_cast %scan3A_26 : i32 to index
        %swap3A_525 = arith.constant 656 : index
        %swap3A_526 = tpu.vector_load %arg6[%swap3A_524, %swap3A_525] {strides = array<i32>} : memref<64x1024xf32, #tpu.memory_space<vmem>>, vector<1x16xf32>,
        %swap3A_527 = vector.shape_cast %swap3A_526 : vector<1x16xf32> to vector<16xf32>
        %swap3A_528 = vector.shape_cast %mul3A_523 : vector<16xf32> to vector<1x16xf32>
        tpu.vector_store %arg6[%swap3A_524, %swap3A_525], %swap3A_528 {strides = array<i32>} : memref<64x1024xf32, #tpu.memory_space<vmem>>, vector<1x16xf32>,
        %get3A_529 = arith.index_cast %scan3A_26 : i32 to index
        %get3A_530 = arith.constant 672 : index
        %get3A_531 = tpu.vector_load %arg6[%get3A_529, %get3A_530] {strides = array<i32>} : memref<64x1024xf32, #tpu.memory_space<vmem>>, vector<1x16xf32>,
        %get3A_532 = vector.shape_cast %get3A_531 : vector<1x16xf32> to vector<16xf32>
        %mul3A_533 = arith.constant 3.200000e+01 : f32
        %mul3A_534 = vector.broadcast %mul3A_533 : f32 to vector<16xf32>
        %mul3A_535 = arith.mulf %get3A_532, %mul3A_534 : vector<16xf32>
        %swap3A_536 = arith.index_cast %scan3A_26 : i32 to index
        %swap3A_537 = arith.constant 672 : index
        %swap3A_538 = tpu.vector_load %arg6[%swap3A_536, %swap3A_537] {strides = array<i32>} : memref<64x1024xf32, #tpu.memory_space<vmem>>, vector<1x16xf32>,
        %swap3A_539 = vector.shape_cast %swap3A_538 : vector<1x16xf32> to vector<16xf32>
        %swap3A_540 = vector.shape_cast %mul3A_535 : vector<16xf32> to vector<1x16xf32>
        tpu.vector_store %arg6[%swap3A_536, %swap3A_537], %swap3A_540 {strides = array<i32>} : memref<64x1024xf32, #tpu.memory_space<vmem>>, vector<1x16xf32>,
        %get3A_541 = arith.index_cast %scan3A_26 : i32 to index
        %get3A_542 = arith.constant 688 : index
        %get3A_543 = tpu.vector_load %arg6[%get3A_541, %get3A_542] {strides = array<i32>} : memref<64x1024xf32, #tpu.memory_space<vmem>>, vector<1x16xf32>,
        %get3A_544 = vector.shape_cast %get3A_543 : vector<1x16xf32> to vector<16xf32>
        %mul3A_545 = arith.constant 3.200000e+01 : f32
        %mul3A_546 = vector.broadcast %mul3A_545 : f32 to vector<16xf32>
        %mul3A_547 = arith.mulf %get3A_544, %mul3A_546 : vector<16xf32>
        %swap3A_548 = arith.index_cast %scan3A_26 : i32 to index
        %swap3A_549 = arith.constant 688 : index
        %swap3A_550 = tpu.vector_load %arg6[%swap3A_548, %swap3A_549] {strides = array<i32>} : memref<64x1024xf32, #tpu.memory_space<vmem>>, vector<1x16xf32>,
        %swap3A_551 = vector.shape_cast %swap3A_550 : vector<1x16xf32> to vector<16xf32>
        %swap3A_552 = vector.shape_cast %mul3A_547 : vector<16xf32> to vector<1x16xf32>
        tpu.vector_store %arg6[%swap3A_548, %swap3A_549], %swap3A_552 {strides = array<i32>} : memref<64x1024xf32, #tpu.memory_space<vmem>>, vector<1x16xf32>,
        %get3A_553 = arith.index_cast %scan3A_26 : i32 to index
        %get3A_554 = arith.constant 704 : index
        %get3A_555 = tpu.vector_load %arg6[%get3A_553, %get3A_554] {strides = array<i32>} : memref<64x1024xf32, #tpu.memory_space<vmem>>, vector<1x16xf32>,
        %get3A_556 = vector.shape_cast %get3A_555 : vector<1x16xf32> to vector<16xf32>
        %mul3A_557 = arith.constant 3.200000e+01 : f32
        %mul3A_558 = vector.broadcast %mul3A_557 : f32 to vector<16xf32>
        %mul3A_559 = arith.mulf %get3A_556, %mul3A_558 : vector<16xf32>
        %swap3A_560 = arith.index_cast %scan3A_26 : i32 to index
        %swap3A_561 = arith.constant 704 : index
        %swap3A_562 = tpu.vector_load %arg6[%swap3A_560, %swap3A_561] {strides = array<i32>} : memref<64x1024xf32, #tpu.memory_space<vmem>>, vector<1x16xf32>,
        %swap3A_563 = vector.shape_cast %swap3A_562 : vector<1x16xf32> to vector<16xf32>
        %swap3A_564 = vector.shape_cast %mul3A_559 : vector<16xf32> to vector<1x16xf32>
        tpu.vector_store %arg6[%swap3A_560, %swap3A_561], %swap3A_564 {strides = array<i32>} : memref<64x1024xf32, #tpu.memory_space<vmem>>, vector<1x16xf32>,
        %get3A_565 = arith.index_cast %scan3A_26 : i32 to index
        %get3A_566 = arith.constant 720 : index
        %get3A_567 = tpu.vector_load %arg6[%get3A_565, %get3A_566] {strides = array<i32>} : memref<64x1024xf32, #tpu.memory_space<vmem>>, vector<1x16xf32>,
        %get3A_568 = vector.shape_cast %get3A_567 : vector<1x16xf32> to vector<16xf32>
        %mul3A_569 = arith.constant 3.200000e+01 : f32
        %mul3A_570 = vector.broadcast %mul3A_569 : f32 to vector<16xf32>
        %mul3A_571 = arith.mulf %get3A_568, %mul3A_570 : vector<16xf32>
        %swap3A_572 = arith.index_cast %scan3A_26 : i32 to index
        %swap3A_573 = arith.constant 720 : index
        %swap3A_574 = tpu.vector_load %arg6[%swap3A_572, %swap3A_573] {strides = array<i32>} : memref<64x1024xf32, #tpu.memory_space<vmem>>, vector<1x16xf32>,
        %swap3A_575 = vector.shape_cast %swap3A_574 : vector<1x16xf32> to vector<16xf32>
        %swap3A_576 = vector.shape_cast %mul3A_571 : vector<16xf32> to vector<1x16xf32>
        tpu.vector_store %arg6[%swap3A_572, %swap3A_573], %swap3A_576 {strides = array<i32>} : memref<64x1024xf32, #tpu.memory_space<vmem>>, vector<1x16xf32>,
        %get3A_577 = arith.index_cast %scan3A_26 : i32 to index
        %get3A_578 = arith.constant 736 : index
        %get3A_579 = tpu.vector_load %arg6[%get3A_577, %get3A_578] {strides = array<i32>} : memref<64x1024xf32, #tpu.memory_space<vmem>>, vector<1x16xf32>,
        %get3A_580 = vector.shape_cast %get3A_579 : vector<1x16xf32> to vector<16xf32>
        %mul3A_581 = arith.constant 3.200000e+01 : f32
        %mul3A_582 = vector.broadcast %mul3A_581 : f32 to vector<16xf32>
        %mul3A_583 = arith.mulf %get3A_580, %mul3A_582 : vector<16xf32>
        %swap3A_584 = arith.index_cast %scan3A_26 : i32 to index
        %swap3A_585 = arith.constant 736 : index
        %swap3A_586 = tpu.vector_load %arg6[%swap3A_584, %swap3A_585] {strides = array<i32>} : memref<64x1024xf32, #tpu.memory_space<vmem>>, vector<1x16xf32>,
        %swap3A_587 = vector.shape_cast %swap3A_586 : vector<1x16xf32> to vector<16xf32>
        %swap3A_588 = vector.shape_cast %mul3A_583 : vector<16xf32> to vector<1x16xf32>
        tpu.vector_store %arg6[%swap3A_584, %swap3A_585], %swap3A_588 {strides = array<i32>} : memref<64x1024xf32, #tpu.memory_space<vmem>>, vector<1x16xf32>,
        %get3A_589 = arith.index_cast %scan3A_26 : i32 to index
        %get3A_590 = arith.constant 752 : index
        %get3A_591 = tpu.vector_load %arg6[%get3A_589, %get3A_590] {strides = array<i32>} : memref<64x1024xf32, #tpu.memory_space<vmem>>, vector<1x16xf32>,
        %get3A_592 = vector.shape_cast %get3A_591 : vector<1x16xf32> to vector<16xf32>
        %mul3A_593 = arith.constant 3.200000e+01 : f32
        %mul3A_594 = vector.broadcast %mul3A_593 : f32 to vector<16xf32>
        %mul3A_595 = arith.mulf %get3A_592, %mul3A_594 : vector<16xf32>
        %swap3A_596 = arith.index_cast %scan3A_26 : i32 to index
        %swap3A_597 = arith.constant 752 : index
        %swap3A_598 = tpu.vector_load %arg6[%swap3A_596, %swap3A_597] {strides = array<i32>} : memref<64x1024xf32, #tpu.memory_space<vmem>>, vector<1x16xf32>,
        %swap3A_599 = vector.shape_cast %swap3A_598 : vector<1x16xf32> to vector<16xf32>
        %swap3A_600 = vector.shape_cast %mul3A_595 : vector<16xf32> to vector<1x16xf32>
        tpu.vector_store %arg6[%swap3A_596, %swap3A_597], %swap3A_600 {strides = array<i32>} : memref<64x1024xf32, #tpu.memory_space<vmem>>, vector<1x16xf32>,
        %get3A_601 = arith.index_cast %scan3A_26 : i32 to index
        %get3A_602 = arith.constant 768 : index
        %get3A_603 = tpu.vector_load %arg6[%get3A_601, %get3A_602] {strides = array<i32>} : memref<64x1024xf32, #tpu.memory_space<vmem>>, vector<1x16xf32>,
        %get3A_604 = vector.shape_cast %get3A_603 : vector<1x16xf32> to vector<16xf32>
        %mul3A_605 = arith.constant 3.200000e+01 : f32
        %mul3A_606 = vector.broadcast %mul3A_605 : f32 to vector<16xf32>
        %mul3A_607 = arith.mulf %get3A_604, %mul3A_606 : vector<16xf32>
        %swap3A_608 = arith.index_cast %scan3A_26 : i32 to index
        %swap3A_609 = arith.constant 768 : index
        %swap3A_610 = tpu.vector_load %arg6[%swap3A_608, %swap3A_609] {strides = array<i32>} : memref<64x1024xf32, #tpu.memory_space<vmem>>, vector<1x16xf32>,
        %swap3A_611 = vector.shape_cast %swap3A_610 : vector<1x16xf32> to vector<16xf32>
        %swap3A_612 = vector.shape_cast %mul3A_607 : vector<16xf32> to vector<1x16xf32>
        tpu.vector_store %arg6[%swap3A_608, %swap3A_609], %swap3A_612 {strides = array<i32>} : memref<64x1024xf32, #tpu.memory_space<vmem>>, vector<1x16xf32>,
        %get3A_613 = arith.index_cast %scan3A_26 : i32 to index
        %get3A_614 = arith.constant 784 : index
        %get3A_615 = tpu.vector_load %arg6[%get3A_613, %get3A_614] {strides = array<i32>} : memref<64x1024xf32, #tpu.memory_space<vmem>>, vector<1x16xf32>,
        %get3A_616 = vector.shape_cast %get3A_615 : vector<1x16xf32> to vector<16xf32>
        %mul3A_617 = arith.constant 3.200000e+01 : f32
        %mul3A_618 = vector.broadcast %mul3A_617 : f32 to vector<16xf32>
        %mul3A_619 = arith.mulf %get3A_616, %mul3A_618 : vector<16xf32>
        %swap3A_620 = arith.index_cast %scan3A_26 : i32 to index
        %swap3A_621 = arith.constant 784 : index
        %swap3A_622 = tpu.vector_load %arg6[%swap3A_620, %swap3A_621] {strides = array<i32>} : memref<64x1024xf32, #tpu.memory_space<vmem>>, vector<1x16xf32>,
        %swap3A_623 = vector.shape_cast %swap3A_622 : vector<1x16xf32> to vector<16xf32>
        %swap3A_624 = vector.shape_cast %mul3A_619 : vector<16xf32> to vector<1x16xf32>
        tpu.vector_store %arg6[%swap3A_620, %swap3A_621], %swap3A_624 {strides = array<i32>} : memref<64x1024xf32, #tpu.memory_space<vmem>>, vector<1x16xf32>,
        %get3A_625 = arith.index_cast %scan3A_26 : i32 to index
        %get3A_626 = arith.constant 800 : index
        %get3A_627 = tpu.vector_load %arg6[%get3A_625, %get3A_626] {strides = array<i32>} : memref<64x1024xf32, #tpu.memory_space<vmem>>, vector<1x16xf32>,
        %get3A_628 = vector.shape_cast %get3A_627 : vector<1x16xf32> to vector<16xf32>
        %mul3A_629 = arith.constant 3.200000e+01 : f32
        %mul3A_630 = vector.broadcast %mul3A_629 : f32 to vector<16xf32>
        %mul3A_631 = arith.mulf %get3A_628, %mul3A_630 : vector<16xf32>
        %swap3A_632 = arith.index_cast %scan3A_26 : i32 to index
        %swap3A_633 = arith.constant 800 : index
        %swap3A_634 = tpu.vector_load %arg6[%swap3A_632, %swap3A_633] {strides = array<i32>} : memref<64x1024xf32, #tpu.memory_space<vmem>>, vector<1x16xf32>,
        %swap3A_635 = vector.shape_cast %swap3A_634 : vector<1x16xf32> to vector<16xf32>
        %swap3A_636 = vector.shape_cast %mul3A_631 : vector<16xf32> to vector<1x16xf32>
        tpu.vector_store %arg6[%swap3A_632, %swap3A_633], %swap3A_636 {strides = array<i32>} : memref<64x1024xf32, #tpu.memory_space<vmem>>, vector<1x16xf32>,
        %get3A_637 = arith.index_cast %scan3A_26 : i32 to index
        %get3A_638 = arith.constant 816 : index
        %get3A_639 = tpu.vector_load %arg6[%get3A_637, %get3A_638] {strides = array<i32>} : memref<64x1024xf32, #tpu.memory_space<vmem>>, vector<1x16xf32>,
        %get3A_640 = vector.shape_cast %get3A_639 : vector<1x16xf32> to vector<16xf32>
        %mul3A_641 = arith.constant 3.200000e+01 : f32
        %mul3A_642 = vector.broadcast %mul3A_641 : f32 to vector<16xf32>
        %mul3A_643 = arith.mulf %get3A_640, %mul3A_642 : vector<16xf32>
        %swap3A_644 = arith.index_cast %scan3A_26 : i32 to index
        %swap3A_645 = arith.constant 816 : index
        %swap3A_646 = tpu.vector_load %arg6[%swap3A_644, %swap3A_645] {strides = array<i32>} : memref<64x1024xf32, #tpu.memory_space<vmem>>, vector<1x16xf32>,
        %swap3A_647 = vector.shape_cast %swap3A_646 : vector<1x16xf32> to vector<16xf32>
        %swap3A_648 = vector.shape_cast %mul3A_643 : vector<16xf32> to vector<1x16xf32>
        tpu.vector_store %arg6[%swap3A_644, %swap3A_645], %swap3A_648 {strides = array<i32>} : memref<64x1024xf32, #tpu.memory_space<vmem>>, vector<1x16xf32>,
        %get3A_649 = arith.index_cast %scan3A_26 : i32 to index
        %get3A_650 = arith.constant 832 : index
        %get3A_651 = tpu.vector_load %arg6[%get3A_649, %get3A_650] {strides = array<i32>} : memref<64x1024xf32, #tpu.memory_space<vmem>>, vector<1x16xf32>,
        %get3A_652 = vector.shape_cast %get3A_651 : vector<1x16xf32> to vector<16xf32>
        %mul3A_653 = arith.constant 3.200000e+01 : f32
        %mul3A_654 = vector.broadcast %mul3A_653 : f32 to vector<16xf32>
        %mul3A_655 = arith.mulf %get3A_652, %mul3A_654 : vector<16xf32>
        %swap3A_656 = arith.index_cast %scan3A_26 : i32 to index
        %swap3A_657 = arith.constant 832 : index
        %swap3A_658 = tpu.vector_load %arg6[%swap3A_656, %swap3A_657] {strides = array<i32>} : memref<64x1024xf32, #tpu.memory_space<vmem>>, vector<1x16xf32>,
        %swap3A_659 = vector.shape_cast %swap3A_658 : vector<1x16xf32> to vector<16xf32>
        %swap3A_660 = vector.shape_cast %mul3A_655 : vector<16xf32> to vector<1x16xf32>
        tpu.vector_store %arg6[%swap3A_656, %swap3A_657], %swap3A_660 {strides = array<i32>} : memref<64x1024xf32, #tpu.memory_space<vmem>>, vector<1x16xf32>,
        %get3A_661 = arith.index_cast %scan3A_26 : i32 to index
        %get3A_662 = arith.constant 848 : index
        %get3A_663 = tpu.vector_load %arg6[%get3A_661, %get3A_662] {strides = array<i32>} : memref<64x1024xf32, #tpu.memory_space<vmem>>, vector<1x16xf32>,
        %get3A_664 = vector.shape_cast %get3A_663 : vector<1x16xf32> to vector<16xf32>
        %mul3A_665 = arith.constant 3.200000e+01 : f32
        %mul3A_666 = vector.broadcast %mul3A_665 : f32 to vector<16xf32>
        %mul3A_667 = arith.mulf %get3A_664, %mul3A_666 : vector<16xf32>
        %swap3A_668 = arith.index_cast %scan3A_26 : i32 to index
        %swap3A_669 = arith.constant 848 : index
        %swap3A_670 = tpu.vector_load %arg6[%swap3A_668, %swap3A_669] {strides = array<i32>} : memref<64x1024xf32, #tpu.memory_space<vmem>>, vector<1x16xf32>,
        %swap3A_671 = vector.shape_cast %swap3A_670 : vector<1x16xf32> to vector<16xf32>
        %swap3A_672 = vector.shape_cast %mul3A_667 : vector<16xf32> to vector<1x16xf32>
        tpu.vector_store %arg6[%swap3A_668, %swap3A_669], %swap3A_672 {strides = array<i32>} : memref<64x1024xf32, #tpu.memory_space<vmem>>, vector<1x16xf32>,
        %get3A_673 = arith.index_cast %scan3A_26 : i32 to index
        %get3A_674 = arith.constant 864 : index
        %get3A_675 = tpu.vector_load %arg6[%get3A_673, %get3A_674] {strides = array<i32>} : memref<64x1024xf32, #tpu.memory_space<vmem>>, vector<1x16xf32>,
        %get3A_676 = vector.shape_cast %get3A_675 : vector<1x16xf32> to vector<16xf32>
        %mul3A_677 = arith.constant 3.200000e+01 : f32
        %mul3A_678 = vector.broadcast %mul3A_677 : f32 to vector<16xf32>
        %mul3A_679 = arith.mulf %get3A_676, %mul3A_678 : vector<16xf32>
        %swap3A_680 = arith.index_cast %scan3A_26 : i32 to index
        %swap3A_681 = arith.constant 864 : index
        %swap3A_682 = tpu.vector_load %arg6[%swap3A_680, %swap3A_681] {strides = array<i32>} : memref<64x1024xf32, #tpu.memory_space<vmem>>, vector<1x16xf32>,
        %swap3A_683 = vector.shape_cast %swap3A_682 : vector<1x16xf32> to vector<16xf32>
        %swap3A_684 = vector.shape_cast %mul3A_679 : vector<16xf32> to vector<1x16xf32>
        tpu.vector_store %arg6[%swap3A_680, %swap3A_681], %swap3A_684 {strides = array<i32>} : memref<64x1024xf32, #tpu.memory_space<vmem>>, vector<1x16xf32>,
        %get3A_685 = arith.index_cast %scan3A_26 : i32 to index
        %get3A_686 = arith.constant 880 : index
        %get3A_687 = tpu.vector_load %arg6[%get3A_685, %get3A_686] {strides = array<i32>} : memref<64x1024xf32, #tpu.memory_space<vmem>>, vector<1x16xf32>,
        %get3A_688 = vector.shape_cast %get3A_687 : vector<1x16xf32> to vector<16xf32>
        %mul3A_689 = arith.constant 3.200000e+01 : f32
        %mul3A_690 = vector.broadcast %mul3A_689 : f32 to vector<16xf32>
        %mul3A_691 = arith.mulf %get3A_688, %mul3A_690 : vector<16xf32>
        %swap3A_692 = arith.index_cast %scan3A_26 : i32 to index
        %swap3A_693 = arith.constant 880 : index
        %swap3A_694 = tpu.vector_load %arg6[%swap3A_692, %swap3A_693] {strides = array<i32>} : memref<64x1024xf32, #tpu.memory_space<vmem>>, vector<1x16xf32>,
        %swap3A_695 = vector.shape_cast %swap3A_694 : vector<1x16xf32> to vector<16xf32>
        %swap3A_696 = vector.shape_cast %mul3A_691 : vector<16xf32> to vector<1x16xf32>
        tpu.vector_store %arg6[%swap3A_692, %swap3A_693], %swap3A_696 {strides = array<i32>} : memref<64x1024xf32, #tpu.memory_space<vmem>>, vector<1x16xf32>,
        %get3A_697 = arith.index_cast %scan3A_26 : i32 to index
        %get3A_698 = arith.constant 896 : index
        %get3A_699 = tpu.vector_load %arg6[%get3A_697, %get3A_698] {strides = array<i32>} : memref<64x1024xf32, #tpu.memory_space<vmem>>, vector<1x16xf32>,
        %get3A_700 = vector.shape_cast %get3A_699 : vector<1x16xf32> to vector<16xf32>
        %mul3A_701 = arith.constant 3.200000e+01 : f32
        %mul3A_702 = vector.broadcast %mul3A_701 : f32 to vector<16xf32>
        %mul3A_703 = arith.mulf %get3A_700, %mul3A_702 : vector<16xf32>
        %swap3A_704 = arith.index_cast %scan3A_26 : i32 to index
        %swap3A_705 = arith.constant 896 : index
        %swap3A_706 = tpu.vector_load %arg6[%swap3A_704, %swap3A_705] {strides = array<i32>} : memref<64x1024xf32, #tpu.memory_space<vmem>>, vector<1x16xf32>,
        %swap3A_707 = vector.shape_cast %swap3A_706 : vector<1x16xf32> to vector<16xf32>
        %swap3A_708 = vector.shape_cast %mul3A_703 : vector<16xf32> to vector<1x16xf32>
        tpu.vector_store %arg6[%swap3A_704, %swap3A_705], %swap3A_708 {strides = array<i32>} : memref<64x1024xf32, #tpu.memory_space<vmem>>, vector<1x16xf32>,
        %get3A_709 = arith.index_cast %scan3A_26 : i32 to index
        %get3A_710 = arith.constant 912 : index
        %get3A_711 = tpu.vector_load %arg6[%get3A_709, %get3A_710] {strides = array<i32>} : memref<64x1024xf32, #tpu.memory_space<vmem>>, vector<1x16xf32>,
        %get3A_712 = vector.shape_cast %get3A_711 : vector<1x16xf32> to vector<16xf32>
        %mul3A_713 = arith.constant 3.200000e+01 : f32
        %mul3A_714 = vector.broadcast %mul3A_713 : f32 to vector<16xf32>
        %mul3A_715 = arith.mulf %get3A_712, %mul3A_714 : vector<16xf32>
        %swap3A_716 = arith.index_cast %scan3A_26 : i32 to index
        %swap3A_717 = arith.constant 912 : index
        %swap3A_718 = tpu.vector_load %arg6[%swap3A_716, %swap3A_717] {strides = array<i32>} : memref<64x1024xf32, #tpu.memory_space<vmem>>, vector<1x16xf32>,
        %swap3A_719 = vector.shape_cast %swap3A_718 : vector<1x16xf32> to vector<16xf32>
        %swap3A_720 = vector.shape_cast %mul3A_715 : vector<16xf32> to vector<1x16xf32>
        tpu.vector_store %arg6[%swap3A_716, %swap3A_717], %swap3A_720 {strides = array<i32>} : memref<64x1024xf32, #tpu.memory_space<vmem>>, vector<1x16xf32>,
        %get3A_721 = arith.index_cast %scan3A_26 : i32 to index
        %get3A_722 = arith.constant 928 : index
        %get3A_723 = tpu.vector_load %arg6[%get3A_721, %get3A_722] {strides = array<i32>} : memref<64x1024xf32, #tpu.memory_space<vmem>>, vector<1x16xf32>,
        %get3A_724 = vector.shape_cast %get3A_723 : vector<1x16xf32> to vector<16xf32>
        %mul3A_725 = arith.constant 3.200000e+01 : f32
        %mul3A_726 = vector.broadcast %mul3A_725 : f32 to vector<16xf32>
        %mul3A_727 = arith.mulf %get3A_724, %mul3A_726 : vector<16xf32>
        %swap3A_728 = arith.index_cast %scan3A_26 : i32 to index
        %swap3A_729 = arith.constant 928 : index
        %swap3A_730 = tpu.vector_load %arg6[%swap3A_728, %swap3A_729] {strides = array<i32>} : memref<64x1024xf32, #tpu.memory_space<vmem>>, vector<1x16xf32>,
        %swap3A_731 = vector.shape_cast %swap3A_730 : vector<1x16xf32> to vector<16xf32>
        %swap3A_732 = vector.shape_cast %mul3A_727 : vector<16xf32> to vector<1x16xf32>
        tpu.vector_store %arg6[%swap3A_728, %swap3A_729], %swap3A_732 {strides = array<i32>} : memref<64x1024xf32, #tpu.memory_space<vmem>>, vector<1x16xf32>,
        %get3A_733 = arith.index_cast %scan3A_26 : i32 to index
        %get3A_734 = arith.constant 944 : index
        %get3A_735 = tpu.vector_load %arg6[%get3A_733, %get3A_734] {strides = array<i32>} : memref<64x1024xf32, #tpu.memory_space<vmem>>, vector<1x16xf32>,
        %get3A_736 = vector.shape_cast %get3A_735 : vector<1x16xf32> to vector<16xf32>
        %mul3A_737 = arith.constant 3.200000e+01 : f32
        %mul3A_738 = vector.broadcast %mul3A_737 : f32 to vector<16xf32>
        %mul3A_739 = arith.mulf %get3A_736, %mul3A_738 : vector<16xf32>
        %swap3A_740 = arith.index_cast %scan3A_26 : i32 to index
        %swap3A_741 = arith.constant 944 : index
        %swap3A_742 = tpu.vector_load %arg6[%swap3A_740, %swap3A_741] {strides = array<i32>} : memref<64x1024xf32, #tpu.memory_space<vmem>>, vector<1x16xf32>,
        %swap3A_743 = vector.shape_cast %swap3A_742 : vector<1x16xf32> to vector<16xf32>
        %swap3A_744 = vector.shape_cast %mul3A_739 : vector<16xf32> to vector<1x16xf32>
        tpu.vector_store %arg6[%swap3A_740, %swap3A_741], %swap3A_744 {strides = array<i32>} : memref<64x1024xf32, #tpu.memory_space<vmem>>, vector<1x16xf32>,
        %get3A_745 = arith.index_cast %scan3A_26 : i32 to index
        %get3A_746 = arith.constant 960 : index
        %get3A_747 = tpu.vector_load %arg6[%get3A_745, %get3A_746] {strides = array<i32>} : memref<64x1024xf32, #tpu.memory_space<vmem>>, vector<1x16xf32>,
        %get3A_748 = vector.shape_cast %get3A_747 : vector<1x16xf32> to vector<16xf32>
        %mul3A_749 = arith.constant 3.200000e+01 : f32
        %mul3A_750 = vector.broadcast %mul3A_749 : f32 to vector<16xf32>
        %mul3A_751 = arith.mulf %get3A_748, %mul3A_750 : vector<16xf32>
        %swap3A_752 = arith.index_cast %scan3A_26 : i32 to index
        %swap3A_753 = arith.constant 960 : index
        %swap3A_754 = tpu.vector_load %arg6[%swap3A_752, %swap3A_753] {strides = array<i32>} : memref<64x1024xf32, #tpu.memory_space<vmem>>, vector<1x16xf32>,
        %swap3A_755 = vector.shape_cast %swap3A_754 : vector<1x16xf32> to vector<16xf32>
        %swap3A_756 = vector.shape_cast %mul3A_751 : vector<16xf32> to vector<1x16xf32>
        tpu.vector_store %arg6[%swap3A_752, %swap3A_753], %swap3A_756 {strides = array<i32>} : memref<64x1024xf32, #tpu.memory_space<vmem>>, vector<1x16xf32>,
        %get3A_757 = arith.index_cast %scan3A_26 : i32 to index
        %get3A_758 = arith.constant 976 : index
        %get3A_759 = tpu.vector_load %arg6[%get3A_757, %get3A_758] {strides = array<i32>} : memref<64x1024xf32, #tpu.memory_space<vmem>>, vector<1x16xf32>,
        %get3A_760 = vector.shape_cast %get3A_759 : vector<1x16xf32> to vector<16xf32>
        %mul3A_761 = arith.constant 3.200000e+01 : f32
        %mul3A_762 = vector.broadcast %mul3A_761 : f32 to vector<16xf32>
        %mul3A_763 = arith.mulf %get3A_760, %mul3A_762 : vector<16xf32>
        %swap3A_764 = arith.index_cast %scan3A_26 : i32 to index
        %swap3A_765 = arith.constant 976 : index
        %swap3A_766 = tpu.vector_load %arg6[%swap3A_764, %swap3A_765] {strides = array<i32>} : memref<64x1024xf32, #tpu.memory_space<vmem>>, vector<1x16xf32>,
        %swap3A_767 = vector.shape_cast %swap3A_766 : vector<1x16xf32> to vector<16xf32>
        %swap3A_768 = vector.shape_cast %mul3A_763 : vector<16xf32> to vector<1x16xf32>
        tpu.vector_store %arg6[%swap3A_764, %swap3A_765], %swap3A_768 {strides = array<i32>} : memref<64x1024xf32, #tpu.memory_space<vmem>>, vector<1x16xf32>,
        %get3A_769 = arith.index_cast %scan3A_26 : i32 to index
        %get3A_770 = arith.constant 992 : index
        %get3A_771 = tpu.vector_load %arg6[%get3A_769, %get3A_770] {strides = array<i32>} : memref<64x1024xf32, #tpu.memory_space<vmem>>, vector<1x16xf32>,
        %get3A_772 = vector.shape_cast %get3A_771 : vector<1x16xf32> to vector<16xf32>
        %mul3A_773 = arith.constant 3.200000e+01 : f32
        %mul3A_774 = vector.broadcast %mul3A_773 : f32 to vector<16xf32>
        %mul3A_775 = arith.mulf %get3A_772, %mul3A_774 : vector<16xf32>
        %swap3A_776 = arith.index_cast %scan3A_26 : i32 to index
        %swap3A_777 = arith.constant 992 : index
        %swap3A_778 = tpu.vector_load %arg6[%swap3A_776, %swap3A_777] {strides = array<i32>} : memref<64x1024xf32, #tpu.memory_space<vmem>>, vector<1x16xf32>,
        %swap3A_779 = vector.shape_cast %swap3A_778 : vector<1x16xf32> to vector<16xf32>
        %swap3A_780 = vector.shape_cast %mul3A_775 : vector<16xf32> to vector<1x16xf32>
        tpu.vector_store %arg6[%swap3A_776, %swap3A_777], %swap3A_780 {strides = array<i32>} : memref<64x1024xf32, #tpu.memory_space<vmem>>, vector<1x16xf32>,
        %get3A_781 = arith.index_cast %scan3A_26 : i32 to index
        %get3A_782 = arith.constant 1008 : index
        %get3A_783 = tpu.vector_load %arg6[%get3A_781, %get3A_782] {strides = array<i32>} : memref<64x1024xf32, #tpu.memory_space<vmem>>, vector<1x16xf32>,
        %get3A_784 = vector.shape_cast %get3A_783 : vector<1x16xf32> to vector<16xf32>
        %mul3A_785 = arith.constant 3.200000e+01 : f32
        %mul3A_786 = vector.broadcast %mul3A_785 : f32 to vector<16xf32>
        %mul3A_787 = arith.mulf %get3A_784, %mul3A_786 : vector<16xf32>
        %swap3A_788 = arith.index_cast %scan3A_26 : i32 to index
        %swap3A_789 = arith.constant 1008 : index
        %swap3A_790 = tpu.vector_load %arg6[%swap3A_788, %swap3A_789] {strides = array<i32>} : memref<64x1024xf32, #tpu.memory_space<vmem>>, vector<1x16xf32>,
        %swap3A_791 = vector.shape_cast %swap3A_790 : vector<1x16xf32> to vector<16xf32>
        %swap3A_792 = vector.shape_cast %mul3A_787 : vector<16xf32> to vector<1x16xf32>
        tpu.vector_store %arg6[%swap3A_788, %swap3A_789], %swap3A_792 {strides = array<i32>} : memref<64x1024xf32, #tpu.memory_space<vmem>>, vector<1x16xf32>,
      }
      %scan3A_22 = arith.constant 64 : i32
      %mul3A_23 = arith.constant 64 : i32
      %mul3A_24 = arith.muli %scan3A_8, %mul3A_23 : i32
      %add3A_25 = arith.addi %mul3A_2, %mul3A_24 : i32
      "tpu.region"() ({
        %run_scoped3A = tpu.sem_alloc : memref<!tpu.dma_semaphore, #tpu.memory_space<semaphore_mem>>
        %dma_start3A_26 = arith.constant 0 : i32
        %dma_start3A_27 = tpu.memref_slice %arg4[%add3A_25, %dma_start3A_26] : memref<16384x1024xf32, #tpu.memory_space<hbm>> -> memref<64x1024xf32, #tpu.memory_space<hbm>>
        %dma_start3A_28 = arith.constant 0 : i32
        %dma_start3A_29 = tpu.memref_slice %arg4[%add3A_25, %dma_start3A_28] : memref<16384x1024xf32, #tpu.memory_space<hbm>> -> memref<64x1024xf32, #tpu.memory_space<hbm>>
        tpu.enqueue_dma source(%arg6 : memref<64x1024xf32, #tpu.memory_space<vmem>>) target(%dma_start3A_29 : memref<64x1024xf32, #tpu.memory_space<hbm>>) target_semaphore(%run_scoped3A : memref<!tpu.dma_semaphore, #tpu.memory_space<semaphore_mem>>)
        %dma_wait3A_30 = arith.constant 0 : i32
        %dma_wait3A_31 = tpu.memref_slice %arg4[%add3A_25, %dma_wait3A_30] : memref<16384x1024xf32, #tpu.memory_space<hbm>> -> memref<64x1024xf32, #tpu.memory_space<hbm>>
        %dma_wait3A_32 = arith.constant 0 : i32
        %dma_wait3A_33 = tpu.memref_slice %arg4[%add3A_25, %dma_wait3A_32] : memref<16384x1024xf32, #tpu.memory_space<hbm>> -> memref<64x1024xf32, #tpu.memory_space<hbm>>
        tpu.wait_dma2 semaphore(%run_scoped3A : memref<!tpu.dma_semaphore, #tpu.memory_space<semaphore_mem>>) src(%arg6 : memref<64x1024xf32, #tpu.memory_space<vmem>>) dst(%dma_wait3A_33 : memref<64x1024xf32, #tpu.memory_space<hbm>>)
        tpu.yield
      }) : () -> ()
    }
    %scan3A_7 = arith.constant 8 : i32
    return
  }
}

</mosaic_0001>

<sc_bundles>
// kernel: kernel.3.cloned.1.call-start
scs
__scs_entry_jumppad:
0x0: {  	(pc) =	sbr.rel $0x88, $3  }
0x1: {  	(tag) =	ssettag $0x0;
	lr =	simm.s32 $0x1  }
0x2: {  	[smem:$0x3F9F] =	sst lr;
	_ =	strace $0xD0000000  }
0x3: {  	_ = 	snop  }
0x4: {  	_ = 	snop  }
0x5: {  	_ = 	snop  }
0x6: {  	_ = 	snop  }
0x7: {  	_ = 	snop  }
__scs_overlays_trampoline_lowered:
0x8: {  	[smem:$0x3FAE] =	sst s0  }
0x9: {  	[smem:$0x3FAF] =	sst s1  }
0xa: {  	[smem:$0x3FB0] =	sst s2  }
0xb: {  	[smem:$0x3FB1] =	sst s3  }
0xc: {  	[smem:$0x3FB2] =	sst s4  }
0xd: {  	[smem:$0x3FB3] =	sst s5  }
0xe: {  	[smem:$0x3FB4] =	sst s6  }
0xf: {  	[smem:$0x3FB5] =	sst s7  }
0x10: {  	[smem:$0x3FB6] =	sst s8  }
0x11: {  	[smem:$0x3FB7] =	sst s9;
	s0 =	simm.s32 @!p0 $0x0  }
0x12: {  	s1 =	sld [smem:$0x3F9D];
	s0 =	simm.s32 @p0 $0x1  }
0x13: {  	[smem:$0x3FB8] =	sst s0;
	s0 =	simm.s32 @!p1 $0x0  }
0x14: {  	s2 =	sld [smem:$0x3F9C];
	s0 =	simm.s32 @p1 $0x1  }
0x15: {  	[smem:$0x3FB9] =	sst s0;
	s0 =	simm.s32 @!p2 $0x0  }
0x16: {  	s3 =	sld [smem:$0x3FDB];
	s0 =	simm.s32 @p2 $0x1  }
0x17: {  	s4 =	simm.s32 $0x1BF5;
	[smem:$0x3FBB] =	sst s0  }
0x18: {  	s0 =	sld [smem:$0x3F9E];
	_ =	swait.ge [sflag:s4], $0x0  }
0x19: {  	s7 =	sld [smem:$0x3F9F]  }
0x1a: {  	s8 =	sadd.s32 $0xFFFFE003, lr  }
0x1b: {  	s9 =	sadd.s32 $0xFFFFFEF7, lr;
	s5 =	simm.s32 $0xFFFFFFFF;
	p2 =	slt.u32 s8, $0xFFFFF086  }
0x1c: {  	p1 =	slt.u32 s9, $0xF7A;
	s5 =	simm.s32 @!p2 $0x0  }
0x1d: {  	s5 =	simm.s32 @p1 $0x1;
	p0 =	seq.s32 s7, s2  }
0x1e: {  	s7 =	smul.u32 @!p0 $0xF7A, s2;
	p2 =	seq.s32 @!p0 s5, $0x0  }
0x1f: {  	s9 =	smul.u32 $0xF7A, s1;
	s8 =	simm.s32 @!p0 $0x1BF5;
	p2 =	por !p2, p0  }
0x20: {  	[sflag:s8] =	ssyncset.s32 @!p0 $0xFFFFF086;
	s6 =	sadd.s32 @!p0 s3, s7;
	s7 =	simm.s32 @!p0 $0x108  }
0x21: {  	s3 =	sadd.s32 s3, s9;
	s6 =	sadd.s32 @!p0 $0x88, s6;
	s7 =	simm.s32 @p2 $0x1082  }
0x22: {  	[simem:s7], [sflag:s8] =	dma.local @!p0 [hbm:s6], $0xF7A  }
0x23: {  	s9 =	sor.u32 $0xD0000000, s2;
	s6 =	simm.s32 $0x108;
	_ =	swait.ge @!p0 [sflag:s8], $0x0  }
0x24: {  	s3 =	sadd.s32 $0x88, s3;
	s6 =	simm.s32 @!p1 $0x1082;
	[sflag:s4] =	ssyncset.s32 $0xFFFFF086  }
0x25: {  	[simem:s6], [sflag:s4] =	dma.local [hbm:s3], $0xF7A  }
0x26: {  	[smem:$0x3F9F] =	sst s1;
	(tag) =	ssettag s2;
	_ =	strace s9  }
0x27: {  	s1 =	sld [smem:$0x3FAF]  }
0x28: {  	s2 =	sld [smem:$0x3FB0]  }
0x29: {  	s4 =	sld [smem:$0x3FB2]  }
0x2a: {  	p0 =	seq.s32 s5, $0x0;
	s5 =	sld [smem:$0x3FB3]  }
0x2b: {  	s6 =	sld [smem:$0x3FB4]  }
0x2c: {  	s7 =	sld [smem:$0x3FB5]  }
0x2d: {  	s3 =	simm.s32 $0x108;
	s8 =	sld [smem:$0x3FB6]  }
0x2e: {  	s3 =	simm.s32 @!p0 $0x1082;
	s9 =	sld [smem:$0x3FB7]  }
0x2f: {  	lr =	sadd.s32 s0, s3;
	s0 =	sld [smem:$0x3FAE]  }
0x30: {  	s3 =	sld [smem:$0x3FB1]  }
0x31: {  	[smem:$0x3FBA] =	sst s10  }
0x32: {  	s10 =	sld [smem:$0x3FB8];
	_ =	sdelay $0x3  }
0x33: {  	p0 =	seq.s32 s10, $0x1;
	s10 =	sld [smem:$0x3FBA];
	_ =	sdelay $0x3  }
0x34: {  	[smem:$0x3FBA] =	sst s10  }
0x35: {  	s10 =	sld [smem:$0x3FB9];
	_ =	sdelay $0x3  }
0x36: {  	p1 =	seq.s32 s10, $0x1;
	s10 =	sld [smem:$0x3FBA];
	_ =	sdelay $0x3  }
0x37: {  	[smem:$0x3FBA] =	sst s10  }
0x38: {  	s10 =	sld [smem:$0x3FBB]  }
0x39: {  	_ = 	snop;
	(pc) =	sbr.ind lr, $3  }
0x3a: {  	_ = 	snop  }
0x3b: {  	_ = 	snop  }
0x3c: {  	p2 =	seq.s32 s10, $0x1;
	s10 =	sld [smem:$0x3FBA]  }
0x3d: {  	_ =	shalt  }
0x3e: {  	_ =	shalt  }
0x3f: {  	_ =	shalt  }
0x40: {  	_ =	shalt  }
0x41: {  	_ =	shalt  }
0x42: {  	_ =	shalt  }
0x43: {  	_ =	shalt  }
0x44: {  	_ =	shalt  }
0x45: {  	_ =	shalt  }
0x46: {  	_ =	shalt  }
0x47: {  	_ =	shalt  }
0x48: {  	_ =	shalt  }
0x49: {  	_ =	shalt  }
0x4a: {  	_ =	shalt  }
0x4b: {  	_ =	shalt  }
0x4c: {  	_ =	shalt  }
0x4d: {  	_ =	shalt  }
0x4e: {  	_ =	shalt  }
0x4f: {  	_ =	shalt  }
0x50: {  	_ =	shalt  }
0x51: {  	_ =	shalt  }
0x52: {  	_ =	shalt  }
0x53: {  	_ =	shalt  }
0x54: {  	_ =	shalt  }
0x55: {  	_ =	shalt  }
0x56: {  	_ =	shalt  }
0x57: {  	_ =	shalt  }
0x58: {  	_ =	shalt  }
0x59: {  	_ =	shalt  }
0x5a: {  	_ =	shalt  }
0x5b: {  	_ =	shalt  }
0x5c: {  	_ =	shalt  }
0x5d: {  	_ =	shalt  }
0x5e: {  	_ =	shalt  }
0x5f: {  	_ =	shalt  }
0x60: {  	_ =	shalt  }
0x61: {  	_ =	shalt  }
0x62: {  	_ =	shalt  }
0x63: {  	_ =	shalt  }
0x64: {  	_ =	shalt  }
0x65: {  	_ =	shalt  }
0x66: {  	_ =	shalt  }
0x67: {  	_ =	shalt  }
0x68: {  	_ =	shalt  }
0x69: {  	_ =	shalt  }
0x6a: {  	_ =	shalt  }
0x6b: {  	_ =	shalt  }
0x6c: {  	_ =	shalt  }
0x6d: {  	_ =	shalt  }
0x6e: {  	_ =	shalt  }
0x6f: {  	_ =	shalt  }
0x70: {  	_ =	shalt  }
0x71: {  	_ =	shalt  }
0x72: {  	_ =	shalt  }
0x73: {  	_ =	shalt  }
0x74: {  	_ =	shalt  }
0x75: {  	_ =	shalt  }
0x76: {  	_ =	shalt  }
0x77: {  	_ =	shalt  }
0x78: {  	_ =	shalt  }
0x79: {  	_ =	shalt  }
0x7a: {  	_ =	shalt  }
0x7b: {  	_ =	shalt  }
0x7c: {  	_ =	shalt  }
0x7d: {  	_ =	shalt  }
0x7e: {  	_ =	shalt  }
0x7f: {  	_ =	shalt  }
0x80: {  	_ =	shalt  }
0x81: {  	_ =	shalt  }
0x82: {  	_ =	shalt  }
0x83: {  	_ =	shalt  }
0x84: {  	_ =	shalt  }
0x85: {  	_ =	shalt  }
0x86: {  	_ =	shalt  }
0x87: {  	_ =	shalt  }
.Lfunc_end0:
.L_simem_size_0:
called_computation_lowered:
.L_overlay_start_0:
0x88: {  	s2 =	sld [smem:$0x3FD9]  }
0x89: {  	s3 =	sld [smem:$0x3FFE];
	_ =	sdelay $0x1  }
0x8a: {  	s1 =	srdreg.scid  }
0x8b: {  	s0 =	sand.u32 $0x1, s1  }
0x8c: {  	s17 =	sshll.u32 s0, $0xA;
	s2 =	sadd.s32 s3, s2  }
0x8d: {  	s2 =	sadd.s32 s2, s17  }
0x8e: {  	[smem:$0x3FC6] =	sst s2  }
0x8f: {  	_ = 	snop  }
0x90: {  	s2 =	sld [smem:$0x3FC8]  }
0x91: {  	s18 =	sld [smem:$0x3FD0];
	(tm) =	ssettm $0x1  }
0x92: {  	s4 =	sld [smem:$0x3FFB];
	_ =	sdelay $0x3  }
0x93: {  	_ =	strace s4  }
0x94: {  	s4 =	sld [smem:$0x3FFC];
	_ =	sdelay $0x3  }
0x95: {  	_ =	strace s4  }
0x96: {  	s4 =	sld [smem:$0x3FFD];
	_ =	sdelay $0x3  }
0x97: {  	_ =	strace s4  }
0x98: {  	_ =	strace $0x8FFFFFFF  }
0x99: {  	s19 =	sld [smem:$0x3FDB];
	_ =	sdelay $0x1  }
0x9a: {  	s5 =	simm.s32 $_scs_section_size  }
0x9b: {  	s6 =	simm.s32 $_size__tile_overlayer_lowered;
	s7 =	simm.s32 $_tile_overlayer_lowered  }
0x9c: {  	s22 =	simm.s32 $0x1BFF;
	s21 =	sshll.u32 s7, $0x1;
	s4 =	sadd.s32 s5, s19  }
0x9d: {  	s8 =	simm.s32 $0x0;
	s20 =	sshll.u32 s6, $0x1;
	s6 =	sadd.s32 s21, s4  }
0x9e: {  	[timem:s8], [sflag:s22] =	dma.local [hbm:s6], s20  }
0x9f: {  	_ =	swait.ge [sflag:s22], s20  }
0xa0: {  	s5 =	ssub.s32 $0x0, s20;
	[sflag:s22] =	ssyncset.done $0x0  }
0xa1: {  	[sflag:s22] =	ssyncadd.s32 s5;
	_ =	sdelay $0x1  }
0xa2: {  	s23 =	simm.s32 $0x1B8B  }
0xa3: {  	_ =	swait.ge [sflag:s23], $0x1  }
0xa4: {  	[sflag:s23] =	ssyncset.done $0x0  }
0xa5: {  	s25 =	simm.s32 $0x1B8E;
	s24 =	sld [smem:$0x3FFE];
	[sflag:s23] =	ssyncadd.s32 $0xFFFFFFFF  }
0xa6: {  	s26 =	simm.s32 $execute0_lowered;
	[smem:$0x3FD2] =	sst s25  }
0xa7: {  	s6 =	sshll.u32 s26, $0x1;
	_ =	strace $0x80000046;
	[dreg:$0x1] =	wrdreg $0xFFFFFFFF  }
0xa8: {  	s28 =	simm.s32 $_size_execute0_lowered;
	s4 =	sadd.s32 s4, s6;
	[dreg:$0x0] =	wrdreg $0x0  }
0xa9: {  	s6 =	sshll.u32 s28, $0x1;
	[dreg:$0x2] =	wrdreg s4  }
0xaa: {  	[dreg:$0x3] =	wrdreg s6  }
0xab: {  	[dreg:$0x4] =	wrdreg $0xC0  }
0xac: {  	_ =	task [dreg:s8], $0x5FFFF  }
0xad: {  	[dreg:$0x1] =	wrdreg $0xFFFFFFFF  }
0xae: {  	[dreg:$0x0] =	wrdreg $0x60  }
0xaf: {  	[dreg:$0x2] =	wrdreg s2  }
0xb0: {  	[dreg:$0x3] =	wrdreg s24  }
0xb1: {  	[dreg:$0x4] =	wrdreg s18  }
0xb2: {  	[dreg:$0x5] =	wrdreg $0x9  }
0xb3: {  	_ =	task.clear_ibuf [dreg:s8], $0x6FFFF;
	_ =	strace $0x90000046  }
0xb4: {  	s29 =	simm.s32 $0x9;
	_ =	strace $0x80000048  }
0xb5: {  	_ =	swait.ge [sflag:s29], $0x1  }
0xb6: {  	[sflag:s29] =	ssyncadd.s32 $0xFFFFFFFF  }
0xb7: {  	_ =	strace $0x90000048  }
0xb8: {  	_ =	sfence  }
0xb9: {  	s30 =	sld [smem:$0x0];
	_ =	sdelay $0x2  }
0xba: {  	s31 =	sshll.u32 s1, $0xD;
	s1 =	sshrl.u32 s1, $0x2  }
0xbb: {  	s3 =	sand.u32 $0x4000, s31;
	s1 =	sadd.s32 s1, s30  }
0xbc: {  	s0 =	sor.u32 s3, s0;
	s1 =	sshll.u32 s1, $0x11  }
0xbd: {  	s0 =	sor.u32 s1, s0  }
0xbe: {  	s0 =	sadd.s32 $0x8F2B, s0  }
0xbf: {  	[sflag:s0] =	ssyncadd.remote.s32 $0x1  }
0xc0: {  	_ =	sfence.sel $0xFFFF  }
0xc1: {  	[dreg:$0x0] =	wrdreg $0xFFFFFFFF;
	(pc) =	sbr.abs _section_cstart, $3  }
0xc2: {  	[dreg:$0x1] =	wrdreg $0xFFFFFFFF  }
0xc3: {  	_ =	task.clear_ibuf [dreg:s8], $0x2FFFF;
	_ =	strace $0x9FFFFFFF  }
0xc4: {  	(tm) =	ssettm $0x7FFFFFFF  }
0xc5: {  	_ =	shalt  }
tec
execute0_lowered:
.L_overlay_start_1:
0x0: {  	(tag) =	ssettag $0x1  }
0x1: {  	s1 =	rddreg [dreg:$0x0];
	s0 =	srdreg.scid  }
0x2: {  	s2 =	rddreg [dreg:$0x1];
	s3 =	stileid.u32;
	s5 =	simm.s32 $0x0  }
0x3: {  	s11 =	simm.s32 $0x2;
	s12 =	simm.s32 $0x200;
	s31 =	simm.s32 $0x9200  }
0x4: {  	s6 =	simm.s32 $0xAA00;
	s10 =	simm.s32 $0xB200;
	s13 =	simm.s32 $0xCA00  }
0x5: {  	s14 =	simm.s32 $0xD200;
	s15 =	simm.s32 $0xDA00;
	s16 =	simm.s32 $0xE200  }
0x6: {  	s17 =	simm.s32 $0xEA00;
	s18 =	simm.s32 $0xF200;
	s19 =	simm.s32 $0xFA00  }
0x7: {  	s20 =	simm.s32 $0x1;
	s22 =	simm.s32 $0x0;
	s0 =	sand.u32 $0x1, s0  }
0x8: {  	s3 =	sshll.u32 s3, $0xA;
	[smem:$0x7FF] =	sst s5;
	s7 =	sadd.s32 $0x100, s1  }
0x9: {  	s8 =	sadd.s32 $0x200, s1;
	s4 =	sshll.u32 s0, $0x9;
	s0 =	ssub.s32 $0x2, s0  }
0xa: {  	s9 =	sadd.s32 $0x300, s1;
	s4 =	sor.u32 s4, s3;
	s30 =	sshrl.u32 s0, $0x1  }
0xb: {  	s5 =	simm.s32 $0xC200;
	s3 =	sshrl.u32 s4, $0x3;
	s0 =	ssub.s32 s0, s30  }
0xc: {  	v2 =	vlaneseq.u32;
	_ =	strace $0x80000047;
	s2 =	sadd.s32 s3, s2;
	s0 =	smax.u32 s0, $0x1  }
0xd: {  	vm0 =	vmmov $0xffff;
	v1 =	vshrl.u32 v2, $0x3;
	s3 =	simm.s32 $0xBA00;
	s2 =	sadd.s32 $0x400, s2;
	[dreg:$0x5] =	wrdreg s0  }
0xe: {  	v0 =	vand.u32 $0x7, v2;
	v2 =	vor.u32 $0x8, v2;
	v1 =	vmul.u32 $0x8, v1;
	s0 =	simm.s32 $0xA200;
	[dreg:$0x4] =	wrdreg s2;
	s2 =	simm.s32 $0x9A00  }
.LBB2_1:
0xf: {  	[dreg:$0x6] =	wrdreg s22  }
0x10: {  	s21 =	simm.s32 $0x0;
	s30 =	rddreg [dreg:$0x4]  }
0x11: {  	[tilespmem:s21], [sflag:$0x2] =	stream.linear.gather [hbm4b:s30+s21], $0x200, $0x38;
	[tilespmem:$0x10200] =	vst v63  }
0x12: {  	_ =	swait.ge [sflag:s11], $0x200  }
0x13: {  	[sflag:s11] =	ssyncset.done $0x0  }
0x14: {  	s21 =	simm.s32 $0x0;
	[sflag:s11] =	ssyncadd.s32 $0xFFFFFE00  }
.LBB2_2:
0x15: {  	s22 =	sshll.u32 s21, $0x6  }
0x16: {  	v3 =	vld [tilespmem:s22+$0x0];
	_ =	sdelay $0x4  }
0x17: {  	v4 =	vshll.u32 v3, $0x3  }
0x18: {  	v3 =	vand.u32 $0x7, v3;
	v4 =	vand.u32 $0xFFFFFFC0, v4  }
0x19: {  	v3 =	vor.u32 v3, v4  }
0x1a: {  	v4 =	vperm.xlane v3, v0;
	_ =	sdelay $0x1  }
0x1b: {  	v4 =	vadd.s32 v1, v4;
	_ =	sdelay $0x3  }
0x1c: {  	s23 =	simm.s32 $0x0  }
0x1d: {  	[tilespmem:s12], [sflag:$0x1] =	stream.indirect_vreg.gather [hbm4b:s1+s23], $0x80, v4, vm0, $0xb8;
	[tilespmem:$0x10200] =	vst v63  }
0x1e: {  	s24 =	simm.s32 $0xA00;
	v3 =	vperm.xlane v3, v2  }
0x1f: {  	[tilespmem:s24], [sflag:$0x1] =	stream.indirect_vreg.gather [hbm4b:s7+s23], $0x80, v4, vm0, $0xb8;
	[tilespmem:$0x10200] =	vst v63  }
0x20: {  	s30 =	simm.s32 $0x1200;
	v3 =	vadd.s32 v1, v3  }
0x21: {  	[tilespmem:s30], [sflag:$0x1] =	stream.indirect_vreg.gather [hbm4b:s8+s23], $0x80, v4, vm0, $0xb8;
	[tilespmem:$0x10200] =	vst v63  }
0x22: {  	s25 =	simm.s32 $0x1A00  }
0x23: {  	[tilespmem:s25], [sflag:$0x1] =	stream.indirect_vreg.gather [hbm4b:s9+s23], $0x80, v4, vm0, $0xb8;
	[tilespmem:$0x10200] =	vst v63  }
0x24: {  	s26 =	simm.s32 $0x2200  }
0x25: {  	[tilespmem:s26], [sflag:$0x1] =	stream.indirect_vreg.gather [hbm4b:s1+s23], $0x80, v3, vm0, $0xb8;
	[tilespmem:$0x10200] =	vst v63  }
0x26: {  	s28 =	simm.s32 $0x2A00  }
0x27: {  	[tilespmem:s28], [sflag:$0x1] =	stream.indirect_vreg.gather [hbm4b:s7+s23], $0x80, v3, vm0, $0xb8;
	[tilespmem:$0x10200] =	vst v63  }
0x28: {  	s29 =	simm.s32 $0x3200  }
0x29: {  	[tilespmem:s29], [sflag:$0x1] =	stream.indirect_vreg.gather [hbm4b:s8+s23], $0x80, v3, vm0, $0xb8;
	[tilespmem:$0x10200] =	vst v63  }
0x2a: {  	s30 =	simm.s32 $0x3A00  }
0x2b: {  	[tilespmem:s30], [sflag:$0x1] =	stream.indirect_vreg.gather [hbm4b:s9+s23], $0x80, v3, vm0, $0xb8;
	[tilespmem:$0x10200] =	vst v63  }
0x2c: {  	v3 =	vld [tilespmem:s22+$0x10];
	_ =	sdelay $0x4  }
0x2d: {  	v61 =	vshll.u32 v3, $0x3  }
0x2e: {  	v3 =	vand.u32 $0x7, v3;
	v4 =	vand.u32 $0xFFFFFFC0, v61  }
0x2f: {  	v3 =	vor.u32 v3, v4  }
0x30: {  	v4 =	vperm.xlane v3, v0;
	_ =	sdelay $0x1  }
0x31: {  	v4 =	vadd.s32 v1, v4;
	_ =	sdelay $0x3  }
0x32: {  	s25 =	simm.s32 $0x4200  }
0x33: {  	[tilespmem:s25], [sflag:$0x1] =	stream.indirect_vreg.gather [hbm4b:s1+s23], $0x80, v4, vm0, $0xb8;
	[tilespmem:$0x10200] =	vst v63  }
0x34: {  	s26 =	simm.s32 $0x4A00;
	v3 =	vperm.xlane v3, v2  }
0x35: {  	[tilespmem:s26], [sflag:$0x1] =	stream.indirect_vreg.gather [hbm4b:s7+s23], $0x80, v4, vm0, $0xb8;
	[tilespmem:$0x10200] =	vst v63  }
0x36: {  	s28 =	simm.s32 $0x5200;
	v3 =	vadd.s32 v1, v3  }
0x37: {  	[tilespmem:s28], [sflag:$0x1] =	stream.indirect_vreg.gather [hbm4b:s8+s23], $0x80, v4, vm0, $0xb8;
	[tilespmem:$0x10200] =	vst v63  }
0x38: {  	s29 =	simm.s32 $0x5A00  }
0x39: {  	[tilespmem:s29], [sflag:$0x1] =	stream.indirect_vreg.gather [hbm4b:s9+s23], $0x80, v4, vm0, $0xb8;
	[tilespmem:$0x10200] =	vst v63  }
0x3a: {  	s30 =	simm.s32 $0x6200  }
0x3b: {  	[tilespmem:s30], [sflag:$0x1] =	stream.indirect_vreg.gather [hbm4b:s1+s23], $0x80, v3, vm0, $0xb8;
	[tilespmem:$0x10200] =	vst v63  }
0x3c: {  	s25 =	simm.s32 $0x6A00  }
0x3d: {  	[tilespmem:s25], [sflag:$0x1] =	stream.indirect_vreg.gather [hbm4b:s7+s23], $0x80, v3, vm0, $0xb8;
	[tilespmem:$0x10200] =	vst v63  }
0x3e: {  	s26 =	simm.s32 $0x7200  }
0x3f: {  	[tilespmem:s26], [sflag:$0x1] =	stream.indirect_vreg.gather [hbm4b:s8+s23], $0x80, v3, vm0, $0xb8;
	[tilespmem:$0x10200] =	vst v63  }
0x40: {  	s28 =	simm.s32 $0x7A00  }
0x41: {  	[tilespmem:s28], [sflag:$0x1] =	stream.indirect_vreg.gather [hbm4b:s9+s23], $0x80, v3, vm0, $0xb8;
	[tilespmem:$0x10200] =	vst v63  }
0x42: {  	v3 =	vld [tilespmem:s22+$0x20];
	_ =	sdelay $0x4  }
0x43: {  	v62 =	vshll.u32 v3, $0x3  }
0x44: {  	v3 =	vand.u32 $0x7, v3;
	v4 =	vand.u32 $0xFFFFFFC0, v62  }
0x45: {  	v3 =	vor.u32 v3, v4  }
0x46: {  	v4 =	vperm.xlane v3, v0;
	_ =	sdelay $0x1  }
0x47: {  	v4 =	vadd.s32 v1, v4;
	_ =	sdelay $0x3  }
0x48: {  	s29 =	simm.s32 $0x8200  }
0x49: {  	[tilespmem:s29], [sflag:$0x1] =	stream.indirect_vreg.gather [hbm4b:s1+s23], $0x80, v4, vm0, $0xb8;
	[tilespmem:$0x10200] =	vst v63  }
0x4a: {  	s30 =	simm.s32 $0x8A00;
	v3 =	vperm.xlane v3, v2  }
0x4b: {  	[tilespmem:s30], [sflag:$0x1] =	stream.indirect_vreg.gather [hbm4b:s7+s23], $0x80, v4, vm0, $0xb8;
	[tilespmem:$0x10200] =	vst v63  }
0x4c: {  	v3 =	vadd.s32 v1, v3  }
0x4d: {  	[tilespmem:s31], [sflag:$0x1] =	stream.indirect_vreg.gather [hbm4b:s8+s23], $0x80, v4, vm0, $0xb8;
	[tilespmem:$0x10200] =	vst v63  }
0x4e: {  	_ = 	snop  }
0x4f: {  	[tilespmem:s2], [sflag:$0x1] =	stream.indirect_vreg.gather [hbm4b:s9+s23], $0x80, v4, vm0, $0xb8;
	[tilespmem:$0x10200] =	vst v63  }
0x50: {  	_ = 	snop  }
0x51: {  	[tilespmem:s0], [sflag:$0x1] =	stream.indirect_vreg.gather [hbm4b:s1+s23], $0x80, v3, vm0, $0xb8;
	[tilespmem:$0x10200] =	vst v63  }
0x52: {  	_ = 	snop  }
0x53: {  	[tilespmem:s6], [sflag:$0x1] =	stream.indirect_vreg.gather [hbm4b:s7+s23], $0x80, v3, vm0, $0xb8;
	[tilespmem:$0x10200] =	vst v63  }
0x54: {  	_ = 	snop  }
0x55: {  	[tilespmem:s10], [sflag:$0x1] =	stream.indirect_vreg.gather [hbm4b:s8+s23], $0x80, v3, vm0, $0xb8;
	[tilespmem:$0x10200] =	vst v63  }
0x56: {  	_ = 	snop  }
0x57: {  	[tilespmem:s3], [sflag:$0x1] =	stream.indirect_vreg.gather [hbm4b:s9+s23], $0x80, v3, vm0, $0xb8;
	[tilespmem:$0x10200] =	vst v63  }
0x58: {  	v3 =	vld [tilespmem:s22+$0x30];
	_ =	sdelay $0x4  }
0x59: {  	v63 =	vshll.u32 v3, $0x3  }
0x5a: {  	v3 =	vand.u32 $0x7, v3;
	v4 =	vand.u32 $0xFFFFFFC0, v63  }
0x5b: {  	v3 =	vor.u32 v3, v4  }
0x5c: {  	v4 =	vperm.xlane v3, v0;
	_ =	sdelay $0x1  }
0x5d: {  	v4 =	vadd.s32 v1, v4;
	_ =	sdelay $0x4  }
0x5e: {  	[tilespmem:s5], [sflag:$0x1] =	stream.indirect_vreg.gather [hbm4b:s1+s23], $0x80, v4, vm0, $0xb8;
	[tilespmem:$0x10200] =	vst v63  }
0x5f: {  	v3 =	vperm.xlane v3, v2  }
0x60: {  	[tilespmem:s13], [sflag:$0x1] =	stream.indirect_vreg.gather [hbm4b:s7+s23], $0x80, v4, vm0, $0xb8;
	[tilespmem:$0x10200] =	vst v63  }
0x61: {  	v3 =	vadd.s32 v1, v3  }
0x62: {  	[tilespmem:s14], [sflag:$0x1] =	stream.indirect_vreg.gather [hbm4b:s8+s23], $0x80, v4, vm0, $0xb8;
	[tilespmem:$0x10200] =	vst v63  }
0x63: {  	_ = 	snop  }
0x64: {  	[tilespmem:s15], [sflag:$0x1] =	stream.indirect_vreg.gather [hbm4b:s9+s23], $0x80, v4, vm0, $0xb8;
	[tilespmem:$0x10200] =	vst v63  }
0x65: {  	_ = 	snop  }
0x66: {  	[tilespmem:s16], [sflag:$0x1] =	stream.indirect_vreg.gather [hbm4b:s1+s23], $0x80, v3, vm0, $0xb8;
	[tilespmem:$0x10200] =	vst v63  }
0x67: {  	_ = 	snop  }
0x68: {  	[tilespmem:s17], [sflag:$0x1] =	stream.indirect_vreg.gather [hbm4b:s7+s23], $0x80, v3, vm0, $0xb8;
	[tilespmem:$0x10200] =	vst v63  }
0x69: {  	_ = 	snop  }
0x6a: {  	[tilespmem:s18], [sflag:$0x1] =	stream.indirect_vreg.gather [hbm4b:s8+s23], $0x80, v3, vm0, $0xb8;
	[tilespmem:$0x10200] =	vst v63  }
0x6b: {  	_ = 	snop  }
0x6c: {  	[tilespmem:s19], [sflag:$0x1] =	stream.indirect_vreg.gather [hbm4b:s9+s23], $0x80, v3, vm0, $0xb8;
	[tilespmem:$0x10200] =	vst v63  }
0x6d: {  	_ =	swait.ge [sflag:s20], $0x10000  }
0x6e: {  	s24 =	simm.s32 $0xFFFF0000;
	[sflag:s20] =	ssyncset.done $0x0  }
0x6f: {  	s25 =	simm.s32 $0x0;
	s26 =	simm.s32 $0x0;
	[sflag:s20] =	ssyncadd.s32 $0xFFFF0000  }
.LBB2_3:
0x70: {  	s28 =	sadd.s32 $0x10000, s24  }
0x71: {  	s29 =	sand.u32 $0x380, s26;
	s28 =	sand.u32 $0xE000, s28  }
0x72: {  	s28 =	sor.u32 s29, s28  }
0x73: {  	v3 =	vld [tilespmem:s28+$0x200]  }
0x74: {  	v4 =	vld [tilespmem:s28+$0x210]  }
0x75: {  	v6 =	vld [tilespmem:s28+$0x230]  }
0x76: {  	v8 =	vld [tilespmem:s28+$0x260]  }
0x77: {  	v5 =	vld [tilespmem:s28+$0x220]  }
0x78: {  	v43 =	vld [tilespmem:s28+$0x600];
	v3 =	vmul.f32 $3.200000000e+01, v3  }
0x79: {  	v7 =	vld [tilespmem:s28+$0x250];
	v4 =	vmul.f32 $3.200000000e+01, v4  }
0x7a: {  	v46 =	vld [tilespmem:s28+$0x620];
	v44 =	vmul.f32 $3.200000000e+01, v6;
	[tilespmem:s28+$0x200] =	vst v3  }
0x7b: {  	v9 =	vld [tilespmem:s28+$0x270];
	v47 =	vmul.f32 $3.200000000e+01, v8;
	[tilespmem:s28+$0x210] =	vst v4  }
0x7c: {  	v49 =	vld [tilespmem:s28+$0x650];
	v3 =	vmul.f32 $3.200000000e+01, v5;
	[tilespmem:s28+$0x230] =	vst v44  }
0x7d: {  	v45 =	vld [tilespmem:s28+$0x610];
	v50 =	vmul.f32 $3.200000000e+01, v43;
	[tilespmem:s28+$0x260] =	vst v47  }
0x7e: {  	v52 =	vld [tilespmem:s28+$0x670];
	[tilespmem:s28+$0x220] =	vst v3;
	v3 =	vmul.f32 $3.200000000e+01, v7  }
0x7f: {  	v48 =	vld [tilespmem:s28+$0x630];
	v53 =	vmul.f32 $3.200000000e+01, v46;
	[tilespmem:s28+$0x600] =	vst v50  }
0x80: {  	v55 =	vld [tilespmem:s28+$0xA10];
	[tilespmem:s28+$0x250] =	vst v3;
	v3 =	vmul.f32 $3.200000000e+01, v9  }
0x81: {  	v51 =	vld [tilespmem:s28+$0x660];
	v56 =	vmul.f32 $3.200000000e+01, v49;
	[tilespmem:s28+$0x620] =	vst v53  }
0x82: {  	v58 =	vld [tilespmem:s28+$0xA30];
	[tilespmem:s28+$0x270] =	vst v3;
	v3 =	vmul.f32 $3.200000000e+01, v45  }
0x83: {  	v54 =	vld [tilespmem:s28+$0xA00];
	v59 =	vmul.f32 $3.200000000e+01, v52;
	[tilespmem:s28+$0x650] =	vst v56  }
0x84: {  	v61 =	vld [tilespmem:s28+$0xA60];
	[tilespmem:s28+$0x610] =	vst v3;
	v3 =	vmul.f32 $3.200000000e+01, v48  }
0x85: {  	v57 =	vld [tilespmem:s28+$0xA20];
	v62 =	vmul.f32 $3.200000000e+01, v55;
	[tilespmem:s28+$0x670] =	vst v59  }
0x86: {  	v12 =	vld [tilespmem:s28+$0xE00];
	[tilespmem:s28+$0x630] =	vst v3;
	v3 =	vmul.f32 $3.200000000e+01, v51  }
0x87: {  	v60 =	vld [tilespmem:s28+$0xA50];
	v13 =	vmul.f32 $3.200000000e+01, v58;
	[tilespmem:s28+$0xA10] =	vst v62  }
0x88: {  	v15 =	vld [tilespmem:s28+$0xE20];
	[tilespmem:s28+$0x660] =	vst v3;
	v3 =	vmul.f32 $3.200000000e+01, v54  }
0x89: {  	v63 =	vld [tilespmem:s28+$0xA70];
	v16 =	vmul.f32 $3.200000000e+01, v61;
	[tilespmem:s28+$0xA30] =	vst v13  }
0x8a: {  	v18 =	vld [tilespmem:s28+$0xE50];
	[tilespmem:s28+$0xA00] =	vst v3;
	v3 =	vmul.f32 $3.200000000e+01, v57  }
0x8b: {  	v14 =	vld [tilespmem:s28+$0xE10];
	v19 =	vmul.f32 $3.200000000e+01, v12;
	[tilespmem:s28+$0xA60] =	vst v16  }
0x8c: {  	v21 =	vld [tilespmem:s28+$0xE70];
	[tilespmem:s28+$0xA20] =	vst v3;
	v3 =	vmul.f32 $3.200000000e+01, v60  }
0x8d: {  	v17 =	vld [tilespmem:s28+$0xE30];
	v22 =	vmul.f32 $3.200000000e+01, v15;
	[tilespmem:s28+$0xE00] =	vst v19  }
0x8e: {  	v24 =	vld [tilespmem:s28+$0x1210];
	[tilespmem:s28+$0xA50] =	vst v3;
	v3 =	vmul.f32 $3.200000000e+01, v63  }
0x8f: {  	v20 =	vld [tilespmem:s28+$0xE60];
	v25 =	vmul.f32 $3.200000000e+01, v18;
	[tilespmem:s28+$0xE20] =	vst v22  }
0x90: {  	v27 =	vld [tilespmem:s28+$0x1230];
	[tilespmem:s28+$0xA70] =	vst v3;
	v3 =	vmul.f32 $3.200000000e+01, v14  }
0x91: {  	v23 =	vld [tilespmem:s28+$0x1200];
	v28 =	vmul.f32 $3.200000000e+01, v21;
	[tilespmem:s28+$0xE50] =	vst v25  }
0x92: {  	v30 =	vld [tilespmem:s28+$0x1260];
	[tilespmem:s28+$0xE10] =	vst v3;
	v3 =	vmul.f32 $3.200000000e+01, v17  }
0x93: {  	v26 =	vld [tilespmem:s28+$0x1220];
	v31 =	vmul.f32 $3.200000000e+01, v24;
	[tilespmem:s28+$0xE70] =	vst v28  }
0x94: {  	v33 =	vld [tilespmem:s28+$0x1600];
	[tilespmem:s28+$0xE30] =	vst v3;
	v3 =	vmul.f32 $3.200000000e+01, v20  }
0x95: {  	v29 =	vld [tilespmem:s28+$0x1250];
	v34 =	vmul.f32 $3.200000000e+01, v27;
	[tilespmem:s28+$0x1210] =	vst v31  }
0x96: {  	v36 =	vld [tilespmem:s28+$0x1620];
	[tilespmem:s28+$0xE60] =	vst v3;
	v3 =	vmul.f32 $3.200000000e+01, v23  }
0x97: {  	v32 =	vld [tilespmem:s28+$0x1270];
	v37 =	vmul.f32 $3.200000000e+01, v30;
	[tilespmem:s28+$0x1230] =	vst v34  }
0x98: {  	v39 =	vld [tilespmem:s28+$0x1650];
	[tilespmem:s28+$0x1200] =	vst v3;
	v3 =	vmul.f32 $3.200000000e+01, v26  }
0x99: {  	v35 =	vld [tilespmem:s28+$0x1610];
	v40 =	vmul.f32 $3.200000000e+01, v33;
	[tilespmem:s28+$0x1260] =	vst v37  }
0x9a: {  	v42 =	vld [tilespmem:s28+$0x1670];
	[tilespmem:s28+$0x1220] =	vst v3;
	v3 =	vmul.f32 $3.200000000e+01, v29  }
0x9b: {  	v38 =	vld [tilespmem:s28+$0x1630];
	v43 =	vmul.f32 $3.200000000e+01, v36;
	[tilespmem:s28+$0x1600] =	vst v40  }
0x9c: {  	v47 =	vld [tilespmem:s28+$0x1A20];
	[tilespmem:s28+$0x1250] =	vst v3;
	v3 =	vmul.f32 $3.200000000e+01, v32  }
0x9d: {  	v41 =	vld [tilespmem:s28+$0x1660];
	v46 =	vmul.f32 $3.200000000e+01, v39;
	[tilespmem:s28+$0x1620] =	vst v43  }
0x9e: {  	v50 =	vld [tilespmem:s28+$0x1A50];
	[tilespmem:s28+$0x1270] =	vst v3;
	v3 =	vmul.f32 $3.200000000e+01, v35  }
0x9f: {  	v49 =	vmul.f32 $3.200000000e+01, v42;
	v44 =	vld [tilespmem:s28+$0x1A00];
	[tilespmem:s28+$0x1650] =	vst v46  }
0xa0: {  	v53 =	vld [tilespmem:s28+$0x1A70];
	[tilespmem:s28+$0x1610] =	vst v3;
	v3 =	vmul.f32 $3.200000000e+01, v38  }
0xa1: {  	[tilespmem:s28+$0x1670] =	vst v49;
	v7 =	vmul.f32 $3.200000000e+01, v47;
	v45 =	vld [tilespmem:s28+$0x1A10]  }
0xa2: {  	v48 =	vld [tilespmem:s28+$0x1A30];
	[tilespmem:s28+$0x1630] =	vst v3;
	v3 =	vmul.f32 $3.200000000e+01, v41  }
0xa3: {  	v9 =	vmul.f32 $3.200000000e+01, v50;
	[tilespmem:s28+$0x1A20] =	vst v7;
	v51 =	vld [tilespmem:s28+$0x1A60]  }
0xa4: {  	[tilespmem:s28+$0x1660] =	vst v3;
	v3 =	vmul.f32 $3.200000000e+01, v44  }
0xa5: {  	v58 =	vld [tilespmem:s28+$0x1640];
	v6 =	vmul.f32 $3.200000000e+01, v53;
	[tilespmem:s28+$0x1A50] =	vst v9  }
0xa6: {  	v52 =	vmul.f32 $3.200000000e+01, v45;
	[tilespmem:s28+$0x1A00] =	vst v3;
	v3 =	vld [tilespmem:s28+$0x240]  }
0xa7: {  	s30 =	sand.u32 $0x7, s23;
	v56 =	vld [tilespmem:s28+$0xE40];
	[tilespmem:s28+$0x1A70] =	vst v6;
	v8 =	vmul.f32 $3.200000000e+01, v48  }
0xa8: {  	s29 =	sshll.u32 s30, $0x7;
	v55 =	vld [tilespmem:s28+$0xA40];
	[tilespmem:s28+$0x1A10] =	vst v52;
	v5 =	vmul.f32 $3.200000000e+01, v51  }
0xa9: {  	s29 =	sadd.s32 s29, s25;
	v54 =	vld [tilespmem:s28+$0x640];
	[tilespmem:s28+$0x1A30] =	vst v8  }
0xaa: {  	s30 =	sor.u32 $0x1C00, s29;
	v62 =	vmul.f32 $3.200000000e+01, v58;
	v57 =	vld [tilespmem:s28+$0x1240];
	[tilespmem:s28+$0x1A60] =	vst v5  }
0xab: {  	v60 =	vld [tilespmem:s30+$0x200];
	v3 =	vmul.f32 $3.200000000e+01, v3  }
0xac: {  	v59 =	vld [tilespmem:s28+$0x1A40];
	v61 =	vmul.f32 $3.200000000e+01, v56;
	[tilespmem:s28+$0x1640] =	vst v62  }
0xad: {  	[tilespmem:s28+$0x240] =	vst v3;
	v3 =	vmul.f32 $3.200000000e+01, v55  }
0xae: {  	[tilespmem:s28+$0xE40] =	vst v61;
	v4 =	vmul.f32 $3.200000000e+01, v54  }
0xaf: {  	[tilespmem:s28+$0xA40] =	vst v3;
	v3 =	vmul.f32 $3.200000000e+01, v57  }
0xb0: {  	[tilespmem:s28+$0x640] =	vst v4;
	v63 =	vmul.f32 $3.200000000e+01, v60  }
0xb1: {  	[tilespmem:s28+$0x1240] =	vst v3;
	v3 =	vmul.f32 $3.200000000e+01, v59  }
0xb2: {  	[tilespmem:s30+$0x200] =	vst v63  }
0xb3: {  	s30 =	sor.u32 $0x1C10, s29;
	[tilespmem:s28+$0x1A40] =	vst v3  }
0xb4: {  	v3 =	vld [tilespmem:s30+$0x200];
	_ =	sdelay $0x4  }
0xb5: {  	v3 =	vmul.f32 $3.200000000e+01, v3;
	_ =	sdelay $0x1  }
0xb6: {  	[tilespmem:s30+$0x200] =	vst v3;
	s30 =	sor.u32 $0x1C20, s29  }
0xb7: {  	v3 =	vld [tilespmem:s30+$0x200];
	_ =	sdelay $0x4  }
0xb8: {  	v3 =	vmul.f32 $3.200000000e+01, v3;
	_ =	sdelay $0x1  }
0xb9: {  	[tilespmem:s30+$0x200] =	vst v3;
	s30 =	sor.u32 $0x1C30, s29  }
0xba: {  	v3 =	vld [tilespmem:s30+$0x200];
	_ =	sdelay $0x4  }
0xbb: {  	v3 =	vmul.f32 $3.200000000e+01, v3;
	_ =	sdelay $0x1  }
0xbc: {  	[tilespmem:s30+$0x200] =	vst v3;
	s30 =	sor.u32 $0x1C40, s29  }
0xbd: {  	v3 =	vld [tilespmem:s30+$0x200];
	_ =	sdelay $0x4  }
0xbe: {  	v3 =	vmul.f32 $3.200000000e+01, v3;
	_ =	sdelay $0x1  }
0xbf: {  	[tilespmem:s30+$0x200] =	vst v3;
	s30 =	sor.u32 $0x1C50, s29  }
0xc0: {  	v3 =	vld [tilespmem:s30+$0x200];
	_ =	sdelay $0x4  }
0xc1: {  	v3 =	vmul.f32 $3.200000000e+01, v3;
	_ =	sdelay $0x1  }
0xc2: {  	[tilespmem:s30+$0x200] =	vst v3;
	s30 =	sor.u32 $0x1C60, s29  }
0xc3: {  	v3 =	vld [tilespmem:s30+$0x200];
	_ =	sdelay $0x4  }
0xc4: {  	v3 =	vmul.f32 $3.200000000e+01, v3;
	_ =	sdelay $0x1  }
0xc5: {  	[tilespmem:s30+$0x200] =	vst v3;
	s30 =	sor.u32 $0x1C70, s29  }
0xc6: {  	v3 =	vld [tilespmem:s30+$0x200];
	_ =	sdelay $0x1  }
0xc7: {  	p0 =	sne.s32 s26, $0x1F80  }
.Ltmp0:
0xc8: {  	_ = 	snop;
	(pc) =	sbr.rel @p0 .LBB2_3-.Ltmp0, $4  }
0xc9: {  	_ = 	snop  }
0xca: {  	v3 =	vmul.f32 $3.200000000e+01, v3  }
0xcb: {  	s23 =	sadd.s32 $0x1, s23  }
0xcc: {  	s24 =	sadd.s32 $0x400, s24;
	s26 =	sadd.s32 $0x80, s26;
	s25 =	sadd.s32 $0x400, s25;
	[tilespmem:s30+$0x200] =	vst v3  }
0xcd: {  	s22 =	sadd.s32 s4, s22;
	s21 =	sadd.s32 $0x1, s21  }
0xce: {  	s23 =	rddreg [dreg:$0x2];
	s22 =	sshll.u32 s22, $0x7;
	p0 =	sne.s32 s21, $0x8  }
.Ltmp1:
0xcf: {  	s30 =	simm.s32 $0x0;
	s22 =	sadd.s32 s23, s22;
	(pc) =	sbr.rel @p0 .LBB2_2-.Ltmp1, $4  }
0xd0: {  	[hbm4b:s22+s30] =	stream.linear.scatter [tilespmem:s12], [sflag:$0x2], $0x10000, $0x38;
	[tilespmem:$0x10200] =	vst v63  }
0xd1: {  	_ =	swait.ge [sflag:s11], $0x10000  }
0xd2: {  	[sflag:s11] =	ssyncset.done $0x0  }
0xd3: {  	[sflag:s11] =	ssyncadd.s32 $0xFFFF0000  }
0xd4: {  	s22 =	rddreg [dreg:$0x6]  }
0xd5: {  	s21 =	rddreg [dreg:$0x5];
	s22 =	sadd.s32 $0x1, s22  }
0xd6: {  	p0 =	sne.s32 s22, s21  }
.Ltmp2:
0xd7: {  	_ = 	snop;
	(pc) =	sbr.rel @p0 .LBB2_1-.Ltmp2, $1  }
0xd8: {  	_ =	sdelay $0x3  }
0xd9: {  	_ =	sfence.sel $0x180000  }
0xda: {  	[bflag:$0x0] =	sbarrier.arrive $0xFFFF  }
0xdb: {  	_ =	strace $0x90000047  }
0xdc: {  	s0 =	stileid.u32;
	[bflag:$0x2] =	sbarrier.arrive $0xFFFF  }
0xdd: {  	p0 =	sne.s32 s0, $0x0;
	s0 =	rddreg [dreg:$0x3]  }
0xde: {  	s0 =	sadd.s32 @!p0 $0x100000, s0  }
0xdf: {  	[sflag:s0] =	ssyncadd.tile.s32 @!p0 $0x1;
	_ =	shalt  }
.Lfunc_end2:
_tile_overlayer_lowered:
.L_overlay_start_2:
0xe0: {  	(tag) =	ssettag $0x2  }
0xe1: {  	s0 =	rddreg [dreg:$0x0];
	s2 =	stileid.u32  }
0xe2: {  	s1 =	rddreg [dreg:$0x1];
	p0 =	sne.s32 s2, $0x0  }
0xe3: {  	s3 =	rddreg [dreg:$0x2];
	[bflag:$0x3] =	sbarrier.arrive $0xFFFF;
	s2 =	simm.s32 @!p0 $0x1C02  }
0xe4: {  	[timem:s3], [sflag:s2] =	dma.local @!p0 [hbm:s0], s1  }
0xe5: {  	s0 =	simm.s32 @!p0 $0x2  }
0xe6: {  	_ =	swait.ge @!p0 [sflag:s0], s1  }
0xe7: {  	s1 =	ssub.s32 @!p0 $0x0, s1;
	[sflag:s0] =	ssyncset.done @!p0 $0x0  }
0xe8: {  	[sflag:s0] =	ssyncadd.s32 @!p0 s1  }
0xe9: {  	[bflag:$0x3] =	sbarrier.arrive $0xFFFF  }
0xea: {  	_ =	shalt  }

</sc_bundles>
